<compile_context>
chip_gen: v7x
topology: tpu7x:2x2x1
jax: 0.10.2.dev20260603
libtpu: 0.0.44.dev20260713+nightly
codegen_flags: <defaults>
</compile_context>

<pallas_src>
import functools

import jax
import jax.numpy as jnp
from jax import lax
from jax.experimental import pallas as pl
from jax.experimental.pallas import tpu as pltpu
from jax.experimental.pallas import tpu_sc as plsc

_NC, _NS = 2, 16
_NW = _NC * _NS
_CHUNK = 128
_BPC = 2
_NBUF = 5
_D = 3


def _emb_body(idx_hbm, table_hbm, out_hbm, idx_v, *bufs):
    rows = bufs[:_NBUF]
    gsem = bufs[_NBUF:2 * _NBUF]
    wsem = bufs[2 * _NBUF:3 * _NBUF]

    seq = out_hbm.shape[1]
    valid = _BPC * seq
    wid = lax.axis_index("s") * _NC + lax.axis_index("c")
    n = idx_hbm.shape[1]
    wbase = wid * n * _BPC
    pltpu.sync_copy(idx_hbm.at[wid], idx_v)

    def fire_writes(c, b):
        for r in range(_BPC):
            pltpu.async_copy(rows[b].at[pl.ds(r * seq, seq)],
                             out_hbm.at[wbase + c * _BPC + r],
                             wsem[b])

    def wait_writes(b):
        for r in range(_BPC):
            pltpu.make_async_copy(rows[b].at[pl.ds(r * seq, seq)],
                                  out_hbm.at[0],
                                  wsem[b]).wait()

    def body(j, _):
        @pl.when(j < n)
        def _():
            slot = lax.rem(j, _NBUF)
            for b in range(_NBUF):
                @pl.when(slot == b)
                def _():
                    @pl.when(j >= _NBUF)
                    def _():
                        wait_writes(b)
                    pltpu.async_copy(
                        table_hbm.at[idx_v.at[j, pl.ds(0, valid)]],
                        rows[b], gsem[b])

        i = j - _D
        @pl.when(i >= 0)
        def _():
            slot = lax.rem(i, _NBUF)
            for b in range(_NBUF):
                @pl.when(slot == b)
                def _():
                    pltpu.make_async_copy(
                        table_hbm.at[idx_v.at[i, pl.ds(0, valid)]],
                        rows[b], gsem[b]).wait()
                    fire_writes(i, b)
        return 0

    lax.fori_loop(0, n + _D, body, 0)

    for b in range(_NBUF):
        wait_writes(b)


def kernel(token_ids, lookup):
    bsz, seq = token_ids.shape
    num, dim = lookup.shape
    bpw = bsz // _NW
    n = bpw // _BPC
    valid = _BPC * seq

    idx = token_ids.astype(jnp.int32).reshape(_NW, n, valid)
    idx = jnp.pad(idx, ((0, 0), (0, 0), (0, _CHUNK - valid)), mode="wrap")

    call = functools.partial(
        pl.kernel,
        mesh=plsc.VectorSubcoreMesh(core_axis_name="c", subcore_axis_name="s"),
        out_type=jax.ShapeDtypeStruct((bsz, seq, dim), jnp.float32),
        compiler_params=pltpu.CompilerParams(use_tc_tiling_on_sc=True),
        scratch_types=(
            [pltpu.VMEM((n, _CHUNK), jnp.int32)]
            + [pltpu.VMEM((_BPC * seq, dim), jnp.float32)
               for _ in range(_NBUF)]
            + [pltpu.SemaphoreType.DMA for _ in range(2 * _NBUF)]
        ),
    )(_emb_body)

    return call(idx, lookup)

# --- scband reference (transcript-rebuilt; emitter-appended) ---
"""Pipeline reference for scband-embedding-39436389712212 (READ-ONLY COPY).

The authoritative reference and input builder live on the scoring server;
editing this copy changes nothing except your own understanding.
"""

import jax, jax.numpy as jnp
import numpy as np

NUM_EMBEDDINGS = 100000
EMBEDDING_DIM = 128


def setup_inputs(seed: int = 0) -> dict:
    key = jax.random.key(seed)
    k_idx, k_tab = jax.random.split(key)
    token_ids = jax.random.randint(k_idx, (4096, 50), 0, NUM_EMBEDDINGS, dtype=jnp.int64 if jax.config.jax_enable_x64 else jnp.int32)
    # truncated normal init, matching torch.nn.init.trunc_normal_ (mean=0, std=1, a=-2, b=2)
    lookup = jax.random.truncated_normal(k_tab, -2.0, 2.0, (NUM_EMBEDDINGS, EMBEDDING_DIM), dtype=jnp.float32)
    return {"token_ids": token_ids, "lookup": lookup}


def reference(token_ids, lookup):
    # Faithful translation of: return self.lookup[token_ids]
    return jnp.take(lookup, token_ids, axis=0)

if __name__ == "__main__":
    import jax
    _d = setup_inputs()
    print(jax.jit(kernel)(*tuple(_d.values())))

</pallas_src>

<mosaic_0001>
#map = affine_map<(d0, d1) -> (0, 0, 0)>
#map1 = affine_map<(d0, d1) -> (0, 0)>
module attributes {stable_mosaic.version = 14 : i64} {
  func.func @_emb_body(%arg0: i32, %arg1: i32, %arg2: memref<32x64x128xi32, #tpu.memory_space<hbm>>, %arg3: memref<100000x128xf32, #tpu.memory_space<hbm>>, %arg4: memref<4096x50x128xf32, #tpu.memory_space<hbm>>, %arg5: memref<64x128xi32, #tpu.memory_space<vmem>>, %arg6: memref<100x128xf32, #tpu.memory_space<vmem>>, %arg7: memref<100x128xf32, #tpu.memory_space<vmem>>, %arg8: memref<100x128xf32, #tpu.memory_space<vmem>>, %arg9: memref<100x128xf32, #tpu.memory_space<vmem>>, %arg10: memref<100x128xf32, #tpu.memory_space<vmem>>, %arg11: memref<!tpu.dma_semaphore, #tpu.memory_space<semaphore_mem>>, %arg12: memref<!tpu.dma_semaphore, #tpu.memory_space<semaphore_mem>>, %arg13: memref<!tpu.dma_semaphore, #tpu.memory_space<semaphore_mem>>, %arg14: memref<!tpu.dma_semaphore, #tpu.memory_space<semaphore_mem>>, %arg15: memref<!tpu.dma_semaphore, #tpu.memory_space<semaphore_mem>>, %arg16: memref<!tpu.dma_semaphore, #tpu.memory_space<semaphore_mem>>, %arg17: memref<!tpu.dma_semaphore, #tpu.memory_space<semaphore_mem>>, %arg18: memref<!tpu.dma_semaphore, #tpu.memory_space<semaphore_mem>>, %arg19: memref<!tpu.dma_semaphore, #tpu.memory_space<semaphore_mem>>, %arg20: memref<!tpu.dma_semaphore, #tpu.memory_space<semaphore_mem>>) attributes {dimension_semantics = [#tpu.dimension_semantics<core_parallel>, #tpu.dimension_semantics<subcore_parallel>], iteration_bounds = array<i64: 2, 16>, scalar_prefetch = 0 : i64, scratch_operands = 16 : i64, tpu.core_type = #tpu.core_type<sc_vector_subcore>, window_params = [{transform_indices = #map}, {transform_indices = #map1}, {transform_indices = #map}]} {
    %mul3A = arith.constant 2 : i32
    %mul3A_0 = arith.muli %arg1, %mul3A : i32
    %add3A = arith.addi %mul3A_0, %arg0 : i32
    %mul3A_1 = arith.constant 64 : i32
    %mul3A_2 = arith.muli %add3A, %mul3A_1 : i32
    %mul3A_3 = arith.constant 2 : i32
    %mul3A_4 = arith.muli %mul3A_2, %mul3A_3 : i32
    "tpu.region"() ({
      %run_scoped3A = tpu.sem_alloc : memref<!tpu.dma_semaphore, #tpu.memory_space<semaphore_mem>>
      %dma_start3A = arith.constant 0 : i32
      %dma_start3A_160 = arith.constant 0 : i32
      %dma_start3A_161 = tpu.memref_slice %arg2[%add3A, %dma_start3A, %dma_start3A_160] : memref<32x64x128xi32, #tpu.memory_space<hbm>> -> memref<1x64x128xi32, #tpu.memory_space<hbm>>
      %dma_start3A_162 = tpu.memref_squeeze %dma_start3A_161 : memref<1x64x128xi32, #tpu.memory_space<hbm>> -> memref<64x128xi32, #tpu.memory_space<hbm>>
      %dma_start3A_163 = arith.constant 0 : i32
      %dma_start3A_164 = arith.constant 0 : i32
      %dma_start3A_165 = tpu.memref_slice %arg2[%add3A, %dma_start3A_163, %dma_start3A_164] : memref<32x64x128xi32, #tpu.memory_space<hbm>> -> memref<1x64x128xi32, #tpu.memory_space<hbm>>
      %dma_start3A_166 = tpu.memref_squeeze %dma_start3A_165 : memref<1x64x128xi32, #tpu.memory_space<hbm>> -> memref<64x128xi32, #tpu.memory_space<hbm>>
      tpu.enqueue_dma source(%dma_start3A_166 : memref<64x128xi32, #tpu.memory_space<hbm>>) target(%arg5 : memref<64x128xi32, #tpu.memory_space<vmem>>) target_semaphore(%run_scoped3A : memref<!tpu.dma_semaphore, #tpu.memory_space<semaphore_mem>>)
      %dma_wait3A_167 = arith.constant 0 : i32
      %dma_wait3A_168 = arith.constant 0 : i32
      %dma_wait3A_169 = tpu.memref_slice %arg2[%add3A, %dma_wait3A_167, %dma_wait3A_168] : memref<32x64x128xi32, #tpu.memory_space<hbm>> -> memref<1x64x128xi32, #tpu.memory_space<hbm>>
      %dma_wait3A_170 = tpu.memref_squeeze %dma_wait3A_169 : memref<1x64x128xi32, #tpu.memory_space<hbm>> -> memref<64x128xi32, #tpu.memory_space<hbm>>
      %dma_wait3A_171 = arith.constant 0 : i32
      %dma_wait3A_172 = arith.constant 0 : i32
      %dma_wait3A_173 = tpu.memref_slice %arg2[%add3A, %dma_wait3A_171, %dma_wait3A_172] : memref<32x64x128xi32, #tpu.memory_space<hbm>> -> memref<1x64x128xi32, #tpu.memory_space<hbm>>
      %dma_wait3A_174 = tpu.memref_squeeze %dma_wait3A_173 : memref<1x64x128xi32, #tpu.memory_space<hbm>> -> memref<64x128xi32, #tpu.memory_space<hbm>>
      tpu.wait_dma2 semaphore(%run_scoped3A : memref<!tpu.dma_semaphore, #tpu.memory_space<semaphore_mem>>) src(%dma_wait3A_174 : memref<64x128xi32, #tpu.memory_space<hbm>>) dst(%arg5 : memref<64x128xi32, #tpu.memory_space<vmem>>)
      tpu.yield
    }) : () -> ()
    %scan3A = arith.constant 0 : i32
    %scan3A_5 = arith.constant 0 : i32
    %scan3A_6 = arith.constant 67 : i32
    %scan3A_7 = arith.addi %scan3A_5, %scan3A_6 : i32
    %scan3A_8 = arith.constant 1 : i32
    %scan3A_9 = scf.for %scan3A_160 = %scan3A_5 to %scan3A_7 step %scan3A_8 iter_args(%scan3A_161 = %scan3A) -> (i32)  : i32 {
      %lt3A = arith.constant 64 : i32
      %lt3A_162 = arith.cmpi slt, %scan3A_160, %lt3A : i32
      %convert_element_type3A = arith.extui %lt3A_162 : i1 to i32
      %cond3A = arith.constant 0 : i32
      %cond3A_163 = arith.cmpi ne, %convert_element_type3A, %cond3A : i32
      scf.if %cond3A_163 {
        %rem3A = arith.constant 5 : i32
        %rem3A_170 = arith.remsi %scan3A_160, %rem3A : i32
        %eq3A = arith.constant 0 : i32
        %eq3A_171 = arith.cmpi eq, %rem3A_170, %eq3A : i32
        %convert_element_type3A_172 = arith.extui %eq3A_171 : i1 to i32
        %cond3A_173 = arith.constant 0 : i32
        %cond3A_174 = arith.cmpi ne, %convert_element_type3A_172, %cond3A_173 : i32
        scf.if %cond3A_174 {
          %ge3A_195 = arith.constant 5 : i32
          %ge3A_196 = arith.cmpi sge, %scan3A_160, %ge3A_195 : i32
          %convert_element_type3A_197 = arith.extui %ge3A_196 : i1 to i32
          %cond3A_198 = arith.constant 0 : i32
          %cond3A_199 = arith.cmpi ne, %convert_element_type3A_197, %cond3A_198 : i32
          scf.if %cond3A_199 {
            %dma_wait3A_205 = arith.constant 0 : i32
            %dma_wait3A_206 = arith.constant 0 : i32
            %dma_wait3A_207 = arith.constant 0 : i32
            %dma_wait3A_208 = tpu.memref_slice %arg6[%dma_wait3A_206, %dma_wait3A_207] : memref<100x128xf32, #tpu.memory_space<vmem>> -> memref<50x128xf32, #tpu.memory_space<vmem>>
            %dma_wait3A_209 = arith.constant 0 : i32
            %dma_wait3A_210 = arith.constant 0 : i32
            %dma_wait3A_211 = tpu.memref_slice %arg4[%dma_wait3A_205, %dma_wait3A_209, %dma_wait3A_210] : memref<4096x50x128xf32, #tpu.memory_space<hbm>> -> memref<1x50x128xf32, #tpu.memory_space<hbm>>
            %dma_wait3A_212 = tpu.memref_squeeze %dma_wait3A_211 : memref<1x50x128xf32, #tpu.memory_space<hbm>> -> memref<50x128xf32, #tpu.memory_space<hbm>>
            %dma_wait3A_213 = arith.constant 0 : i32
            %dma_wait3A_214 = arith.constant 0 : i32
            %dma_wait3A_215 = tpu.memref_slice %arg4[%dma_wait3A_205, %dma_wait3A_213, %dma_wait3A_214] : memref<4096x50x128xf32, #tpu.memory_space<hbm>> -> memref<1x50x128xf32, #tpu.memory_space<hbm>>
            %dma_wait3A_216 = tpu.memref_squeeze %dma_wait3A_215 : memref<1x50x128xf32, #tpu.memory_space<hbm>> -> memref<50x128xf32, #tpu.memory_space<hbm>>
            %dma_wait3A_217 = arith.constant 0 : i32
            %dma_wait3A_218 = arith.constant 0 : i32
            %dma_wait3A_219 = tpu.memref_slice %arg6[%dma_wait3A_217, %dma_wait3A_218] : memref<100x128xf32, #tpu.memory_space<vmem>> -> memref<50x128xf32, #tpu.memory_space<vmem>>
            tpu.wait_dma2 semaphore(%arg16 : memref<!tpu.dma_semaphore, #tpu.memory_space<semaphore_mem>>) src(%dma_wait3A_219 : memref<50x128xf32, #tpu.memory_space<vmem>>) dst(%dma_wait3A_216 : memref<50x128xf32, #tpu.memory_space<hbm>>)
            %dma_wait3A_220 = arith.constant 0 : i32
            %dma_wait3A_221 = arith.constant 50 : i32
            %dma_wait3A_222 = arith.constant 0 : i32
            %dma_wait3A_223 = tpu.memref_slice %arg6[%dma_wait3A_221, %dma_wait3A_222] : memref<100x128xf32, #tpu.memory_space<vmem>> -> memref<50x128xf32, #tpu.memory_space<vmem>>
            %dma_wait3A_224 = arith.constant 0 : i32
            %dma_wait3A_225 = arith.constant 0 : i32
            %dma_wait3A_226 = tpu.memref_slice %arg4[%dma_wait3A_220, %dma_wait3A_224, %dma_wait3A_225] : memref<4096x50x128xf32, #tpu.memory_space<hbm>> -> memref<1x50x128xf32, #tpu.memory_space<hbm>>
            %dma_wait3A_227 = tpu.memref_squeeze %dma_wait3A_226 : memref<1x50x128xf32, #tpu.memory_space<hbm>> -> memref<50x128xf32, #tpu.memory_space<hbm>>
            %dma_wait3A_228 = arith.constant 0 : i32
            %dma_wait3A_229 = arith.constant 0 : i32
            %dma_wait3A_230 = tpu.memref_slice %arg4[%dma_wait3A_220, %dma_wait3A_228, %dma_wait3A_229] : memref<4096x50x128xf32, #tpu.memory_space<hbm>> -> memref<1x50x128xf32, #tpu.memory_space<hbm>>
            %dma_wait3A_231 = tpu.memref_squeeze %dma_wait3A_230 : memref<1x50x128xf32, #tpu.memory_space<hbm>> -> memref<50x128xf32, #tpu.memory_space<hbm>>
            %dma_wait3A_232 = arith.constant 50 : i32
            %dma_wait3A_233 = arith.constant 0 : i32
            %dma_wait3A_234 = tpu.memref_slice %arg6[%dma_wait3A_232, %dma_wait3A_233] : memref<100x128xf32, #tpu.memory_space<vmem>> -> memref<50x128xf32, #tpu.memory_space<vmem>>
            tpu.wait_dma2 semaphore(%arg16 : memref<!tpu.dma_semaphore, #tpu.memory_space<semaphore_mem>>) src(%dma_wait3A_234 : memref<50x128xf32, #tpu.memory_space<vmem>>) dst(%dma_wait3A_231 : memref<50x128xf32, #tpu.memory_space<hbm>>)
          } else {
          }
          %dma_start3A = arith.constant 0 : i32
          %dma_start3A_200 = tpu.memref_slice %arg5[%scan3A_160, %dma_start3A] : memref<64x128xi32, #tpu.memory_space<vmem>> -> memref<1x100xi32, #tpu.memory_space<vmem>>
          %dma_start3A_201 = tpu.memref_squeeze %dma_start3A_200 : memref<1x100xi32, #tpu.memory_space<vmem>> -> memref<100xi32, #tpu.memory_space<vmem>>
          %dma_start3A_202 = arith.constant 0 : i32
          %dma_start3A_203 = arith.constant 0 : i32
          %dma_start3A_204 = tpu.memref_slice %arg3[%dma_start3A_202, %dma_start3A_203] : memref<100000x128xf32, #tpu.memory_space<hbm>> -> memref<100000x128xf32, #tpu.memory_space<hbm>>
          tpu.enqueue_indirect_dma source(%dma_start3A_204 : memref<100000x128xf32, #tpu.memory_space<hbm>>) target(%arg6 : memref<100x128xf32, #tpu.memory_space<vmem>>) offsets(%dma_start3A_201 : memref<100xi32, #tpu.memory_space<vmem>>) semaphore(%arg11 : memref<!tpu.dma_semaphore, #tpu.memory_space<semaphore_mem>>)
        } else {
        }
        %eq3A_175 = arith.constant 1 : i32
        %eq3A_176 = arith.cmpi eq, %rem3A_170, %eq3A_175 : i32
        %convert_element_type3A_177 = arith.extui %eq3A_176 : i1 to i32
        %cond3A_178 = arith.constant 0 : i32
        %cond3A_179 = arith.cmpi ne, %convert_element_type3A_177, %cond3A_178 : i32
        scf.if %cond3A_179 {
          %ge3A_195 = arith.constant 5 : i32
          %ge3A_196 = arith.cmpi sge, %scan3A_160, %ge3A_195 : i32
          %convert_element_type3A_197 = arith.extui %ge3A_196 : i1 to i32
          %cond3A_198 = arith.constant 0 : i32
          %cond3A_199 = arith.cmpi ne, %convert_element_type3A_197, %cond3A_198 : i32
          scf.if %cond3A_199 {
            %dma_wait3A_205 = arith.constant 0 : i32
            %dma_wait3A_206 = arith.constant 0 : i32
            %dma_wait3A_207 = arith.constant 0 : i32
            %dma_wait3A_208 = tpu.memref_slice %arg7[%dma_wait3A_206, %dma_wait3A_207] : memref<100x128xf32, #tpu.memory_space<vmem>> -> memref<50x128xf32, #tpu.memory_space<vmem>>
            %dma_wait3A_209 = arith.constant 0 : i32
            %dma_wait3A_210 = arith.constant 0 : i32
            %dma_wait3A_211 = tpu.memref_slice %arg4[%dma_wait3A_205, %dma_wait3A_209, %dma_wait3A_210] : memref<4096x50x128xf32, #tpu.memory_space<hbm>> -> memref<1x50x128xf32, #tpu.memory_space<hbm>>
            %dma_wait3A_212 = tpu.memref_squeeze %dma_wait3A_211 : memref<1x50x128xf32, #tpu.memory_space<hbm>> -> memref<50x128xf32, #tpu.memory_space<hbm>>
            %dma_wait3A_213 = arith.constant 0 : i32
            %dma_wait3A_214 = arith.constant 0 : i32
            %dma_wait3A_215 = tpu.memref_slice %arg4[%dma_wait3A_205, %dma_wait3A_213, %dma_wait3A_214] : memref<4096x50x128xf32, #tpu.memory_space<hbm>> -> memref<1x50x128xf32, #tpu.memory_space<hbm>>
            %dma_wait3A_216 = tpu.memref_squeeze %dma_wait3A_215 : memref<1x50x128xf32, #tpu.memory_space<hbm>> -> memref<50x128xf32, #tpu.memory_space<hbm>>
            %dma_wait3A_217 = arith.constant 0 : i32
            %dma_wait3A_218 = arith.constant 0 : i32
            %dma_wait3A_219 = tpu.memref_slice %arg7[%dma_wait3A_217, %dma_wait3A_218] : memref<100x128xf32, #tpu.memory_space<vmem>> -> memref<50x128xf32, #tpu.memory_space<vmem>>
            tpu.wait_dma2 semaphore(%arg17 : memref<!tpu.dma_semaphore, #tpu.memory_space<semaphore_mem>>) src(%dma_wait3A_219 : memref<50x128xf32, #tpu.memory_space<vmem>>) dst(%dma_wait3A_216 : memref<50x128xf32, #tpu.memory_space<hbm>>)
            %dma_wait3A_220 = arith.constant 0 : i32
            %dma_wait3A_221 = arith.constant 50 : i32
            %dma_wait3A_222 = arith.constant 0 : i32
            %dma_wait3A_223 = tpu.memref_slice %arg7[%dma_wait3A_221, %dma_wait3A_222] : memref<100x128xf32, #tpu.memory_space<vmem>> -> memref<50x128xf32, #tpu.memory_space<vmem>>
            %dma_wait3A_224 = arith.constant 0 : i32
            %dma_wait3A_225 = arith.constant 0 : i32
            %dma_wait3A_226 = tpu.memref_slice %arg4[%dma_wait3A_220, %dma_wait3A_224, %dma_wait3A_225] : memref<4096x50x128xf32, #tpu.memory_space<hbm>> -> memref<1x50x128xf32, #tpu.memory_space<hbm>>
            %dma_wait3A_227 = tpu.memref_squeeze %dma_wait3A_226 : memref<1x50x128xf32, #tpu.memory_space<hbm>> -> memref<50x128xf32, #tpu.memory_space<hbm>>
            %dma_wait3A_228 = arith.constant 0 : i32
            %dma_wait3A_229 = arith.constant 0 : i32
            %dma_wait3A_230 = tpu.memref_slice %arg4[%dma_wait3A_220, %dma_wait3A_228, %dma_wait3A_229] : memref<4096x50x128xf32, #tpu.memory_space<hbm>> -> memref<1x50x128xf32, #tpu.memory_space<hbm>>
            %dma_wait3A_231 = tpu.memref_squeeze %dma_wait3A_230 : memref<1x50x128xf32, #tpu.memory_space<hbm>> -> memref<50x128xf32, #tpu.memory_space<hbm>>
            %dma_wait3A_232 = arith.constant 50 : i32
            %dma_wait3A_233 = arith.constant 0 : i32
            %dma_wait3A_234 = tpu.memref_slice %arg7[%dma_wait3A_232, %dma_wait3A_233] : memref<100x128xf32, #tpu.memory_space<vmem>> -> memref<50x128xf32, #tpu.memory_space<vmem>>
            tpu.wait_dma2 semaphore(%arg17 : memref<!tpu.dma_semaphore, #tpu.memory_space<semaphore_mem>>) src(%dma_wait3A_234 : memref<50x128xf32, #tpu.memory_space<vmem>>) dst(%dma_wait3A_231 : memref<50x128xf32, #tpu.memory_space<hbm>>)
          } else {
          }
          %dma_start3A = arith.constant 0 : i32
          %dma_start3A_200 = tpu.memref_slice %arg5[%scan3A_160, %dma_start3A] : memref<64x128xi32, #tpu.memory_space<vmem>> -> memref<1x100xi32, #tpu.memory_space<vmem>>
          %dma_start3A_201 = tpu.memref_squeeze %dma_start3A_200 : memref<1x100xi32, #tpu.memory_space<vmem>> -> memref<100xi32, #tpu.memory_space<vmem>>
          %dma_start3A_202 = arith.constant 0 : i32
          %dma_start3A_203 = arith.constant 0 : i32
          %dma_start3A_204 = tpu.memref_slice %arg3[%dma_start3A_202, %dma_start3A_203] : memref<100000x128xf32, #tpu.memory_space<hbm>> -> memref<100000x128xf32, #tpu.memory_space<hbm>>
          tpu.enqueue_indirect_dma source(%dma_start3A_204 : memref<100000x128xf32, #tpu.memory_space<hbm>>) target(%arg7 : memref<100x128xf32, #tpu.memory_space<vmem>>) offsets(%dma_start3A_201 : memref<100xi32, #tpu.memory_space<vmem>>) semaphore(%arg12 : memref<!tpu.dma_semaphore, #tpu.memory_space<semaphore_mem>>)
        } else {
        }
        %eq3A_180 = arith.constant 2 : i32
        %eq3A_181 = arith.cmpi eq, %rem3A_170, %eq3A_180 : i32
        %convert_element_type3A_182 = arith.extui %eq3A_181 : i1 to i32
        %cond3A_183 = arith.constant 0 : i32
        %cond3A_184 = arith.cmpi ne, %convert_element_type3A_182, %cond3A_183 : i32
        scf.if %cond3A_184 {
          %ge3A_195 = arith.constant 5 : i32
          %ge3A_196 = arith.cmpi sge, %scan3A_160, %ge3A_195 : i32
          %convert_element_type3A_197 = arith.extui %ge3A_196 : i1 to i32
          %cond3A_198 = arith.constant 0 : i32
          %cond3A_199 = arith.cmpi ne, %convert_element_type3A_197, %cond3A_198 : i32
          scf.if %cond3A_199 {
            %dma_wait3A_205 = arith.constant 0 : i32
            %dma_wait3A_206 = arith.constant 0 : i32
            %dma_wait3A_207 = arith.constant 0 : i32
            %dma_wait3A_208 = tpu.memref_slice %arg8[%dma_wait3A_206, %dma_wait3A_207] : memref<100x128xf32, #tpu.memory_space<vmem>> -> memref<50x128xf32, #tpu.memory_space<vmem>>
            %dma_wait3A_209 = arith.constant 0 : i32
            %dma_wait3A_210 = arith.constant 0 : i32
            %dma_wait3A_211 = tpu.memref_slice %arg4[%dma_wait3A_205, %dma_wait3A_209, %dma_wait3A_210] : memref<4096x50x128xf32, #tpu.memory_space<hbm>> -> memref<1x50x128xf32, #tpu.memory_space<hbm>>
            %dma_wait3A_212 = tpu.memref_squeeze %dma_wait3A_211 : memref<1x50x128xf32, #tpu.memory_space<hbm>> -> memref<50x128xf32, #tpu.memory_space<hbm>>
            %dma_wait3A_213 = arith.constant 0 : i32
            %dma_wait3A_214 = arith.constant 0 : i32
            %dma_wait3A_215 = tpu.memref_slice %arg4[%dma_wait3A_205, %dma_wait3A_213, %dma_wait3A_214] : memref<4096x50x128xf32, #tpu.memory_space<hbm>> -> memref<1x50x128xf32, #tpu.memory_space<hbm>>
            %dma_wait3A_216 = tpu.memref_squeeze %dma_wait3A_215 : memref<1x50x128xf32, #tpu.memory_space<hbm>> -> memref<50x128xf32, #tpu.memory_space<hbm>>
            %dma_wait3A_217 = arith.constant 0 : i32
            %dma_wait3A_218 = arith.constant 0 : i32
            %dma_wait3A_219 = tpu.memref_slice %arg8[%dma_wait3A_217, %dma_wait3A_218] : memref<100x128xf32, #tpu.memory_space<vmem>> -> memref<50x128xf32, #tpu.memory_space<vmem>>
            tpu.wait_dma2 semaphore(%arg18 : memref<!tpu.dma_semaphore, #tpu.memory_space<semaphore_mem>>) src(%dma_wait3A_219 : memref<50x128xf32, #tpu.memory_space<vmem>>) dst(%dma_wait3A_216 : memref<50x128xf32, #tpu.memory_space<hbm>>)
            %dma_wait3A_220 = arith.constant 0 : i32
            %dma_wait3A_221 = arith.constant 50 : i32
            %dma_wait3A_222 = arith.constant 0 : i32
            %dma_wait3A_223 = tpu.memref_slice %arg8[%dma_wait3A_221, %dma_wait3A_222] : memref<100x128xf32, #tpu.memory_space<vmem>> -> memref<50x128xf32, #tpu.memory_space<vmem>>
            %dma_wait3A_224 = arith.constant 0 : i32
            %dma_wait3A_225 = arith.constant 0 : i32
            %dma_wait3A_226 = tpu.memref_slice %arg4[%dma_wait3A_220, %dma_wait3A_224, %dma_wait3A_225] : memref<4096x50x128xf32, #tpu.memory_space<hbm>> -> memref<1x50x128xf32, #tpu.memory_space<hbm>>
            %dma_wait3A_227 = tpu.memref_squeeze %dma_wait3A_226 : memref<1x50x128xf32, #tpu.memory_space<hbm>> -> memref<50x128xf32, #tpu.memory_space<hbm>>
            %dma_wait3A_228 = arith.constant 0 : i32
            %dma_wait3A_229 = arith.constant 0 : i32
            %dma_wait3A_230 = tpu.memref_slice %arg4[%dma_wait3A_220, %dma_wait3A_228, %dma_wait3A_229] : memref<4096x50x128xf32, #tpu.memory_space<hbm>> -> memref<1x50x128xf32, #tpu.memory_space<hbm>>
            %dma_wait3A_231 = tpu.memref_squeeze %dma_wait3A_230 : memref<1x50x128xf32, #tpu.memory_space<hbm>> -> memref<50x128xf32, #tpu.memory_space<hbm>>
            %dma_wait3A_232 = arith.constant 50 : i32
            %dma_wait3A_233 = arith.constant 0 : i32
            %dma_wait3A_234 = tpu.memref_slice %arg8[%dma_wait3A_232, %dma_wait3A_233] : memref<100x128xf32, #tpu.memory_space<vmem>> -> memref<50x128xf32, #tpu.memory_space<vmem>>
            tpu.wait_dma2 semaphore(%arg18 : memref<!tpu.dma_semaphore, #tpu.memory_space<semaphore_mem>>) src(%dma_wait3A_234 : memref<50x128xf32, #tpu.memory_space<vmem>>) dst(%dma_wait3A_231 : memref<50x128xf32, #tpu.memory_space<hbm>>)
          } else {
          }
          %dma_start3A = arith.constant 0 : i32
          %dma_start3A_200 = tpu.memref_slice %arg5[%scan3A_160, %dma_start3A] : memref<64x128xi32, #tpu.memory_space<vmem>> -> memref<1x100xi32, #tpu.memory_space<vmem>>
          %dma_start3A_201 = tpu.memref_squeeze %dma_start3A_200 : memref<1x100xi32, #tpu.memory_space<vmem>> -> memref<100xi32, #tpu.memory_space<vmem>>
          %dma_start3A_202 = arith.constant 0 : i32
          %dma_start3A_203 = arith.constant 0 : i32
          %dma_start3A_204 = tpu.memref_slice %arg3[%dma_start3A_202, %dma_start3A_203] : memref<100000x128xf32, #tpu.memory_space<hbm>> -> memref<100000x128xf32, #tpu.memory_space<hbm>>
          tpu.enqueue_indirect_dma source(%dma_start3A_204 : memref<100000x128xf32, #tpu.memory_space<hbm>>) target(%arg8 : memref<100x128xf32, #tpu.memory_space<vmem>>) offsets(%dma_start3A_201 : memref<100xi32, #tpu.memory_space<vmem>>) semaphore(%arg13 : memref<!tpu.dma_semaphore, #tpu.memory_space<semaphore_mem>>)
        } else {
        }
        %eq3A_185 = arith.constant 3 : i32
        %eq3A_186 = arith.cmpi eq, %rem3A_170, %eq3A_185 : i32
        %convert_element_type3A_187 = arith.extui %eq3A_186 : i1 to i32
        %cond3A_188 = arith.constant 0 : i32
        %cond3A_189 = arith.cmpi ne, %convert_element_type3A_187, %cond3A_188 : i32
        scf.if %cond3A_189 {
          %ge3A_195 = arith.constant 5 : i32
          %ge3A_196 = arith.cmpi sge, %scan3A_160, %ge3A_195 : i32
          %convert_element_type3A_197 = arith.extui %ge3A_196 : i1 to i32
          %cond3A_198 = arith.constant 0 : i32
          %cond3A_199 = arith.cmpi ne, %convert_element_type3A_197, %cond3A_198 : i32
          scf.if %cond3A_199 {
            %dma_wait3A_205 = arith.constant 0 : i32
            %dma_wait3A_206 = arith.constant 0 : i32
            %dma_wait3A_207 = arith.constant 0 : i32
            %dma_wait3A_208 = tpu.memref_slice %arg9[%dma_wait3A_206, %dma_wait3A_207] : memref<100x128xf32, #tpu.memory_space<vmem>> -> memref<50x128xf32, #tpu.memory_space<vmem>>
            %dma_wait3A_209 = arith.constant 0 : i32
            %dma_wait3A_210 = arith.constant 0 : i32
            %dma_wait3A_211 = tpu.memref_slice %arg4[%dma_wait3A_205, %dma_wait3A_209, %dma_wait3A_210] : memref<4096x50x128xf32, #tpu.memory_space<hbm>> -> memref<1x50x128xf32, #tpu.memory_space<hbm>>
            %dma_wait3A_212 = tpu.memref_squeeze %dma_wait3A_211 : memref<1x50x128xf32, #tpu.memory_space<hbm>> -> memref<50x128xf32, #tpu.memory_space<hbm>>
            %dma_wait3A_213 = arith.constant 0 : i32
            %dma_wait3A_214 = arith.constant 0 : i32
            %dma_wait3A_215 = tpu.memref_slice %arg4[%dma_wait3A_205, %dma_wait3A_213, %dma_wait3A_214] : memref<4096x50x128xf32, #tpu.memory_space<hbm>> -> memref<1x50x128xf32, #tpu.memory_space<hbm>>
            %dma_wait3A_216 = tpu.memref_squeeze %dma_wait3A_215 : memref<1x50x128xf32, #tpu.memory_space<hbm>> -> memref<50x128xf32, #tpu.memory_space<hbm>>
            %dma_wait3A_217 = arith.constant 0 : i32
            %dma_wait3A_218 = arith.constant 0 : i32
            %dma_wait3A_219 = tpu.memref_slice %arg9[%dma_wait3A_217, %dma_wait3A_218] : memref<100x128xf32, #tpu.memory_space<vmem>> -> memref<50x128xf32, #tpu.memory_space<vmem>>
            tpu.wait_dma2 semaphore(%arg19 : memref<!tpu.dma_semaphore, #tpu.memory_space<semaphore_mem>>) src(%dma_wait3A_219 : memref<50x128xf32, #tpu.memory_space<vmem>>) dst(%dma_wait3A_216 : memref<50x128xf32, #tpu.memory_space<hbm>>)
            %dma_wait3A_220 = arith.constant 0 : i32
            %dma_wait3A_221 = arith.constant 50 : i32
            %dma_wait3A_222 = arith.constant 0 : i32
            %dma_wait3A_223 = tpu.memref_slice %arg9[%dma_wait3A_221, %dma_wait3A_222] : memref<100x128xf32, #tpu.memory_space<vmem>> -> memref<50x128xf32, #tpu.memory_space<vmem>>
            %dma_wait3A_224 = arith.constant 0 : i32
            %dma_wait3A_225 = arith.constant 0 : i32
            %dma_wait3A_226 = tpu.memref_slice %arg4[%dma_wait3A_220, %dma_wait3A_224, %dma_wait3A_225] : memref<4096x50x128xf32, #tpu.memory_space<hbm>> -> memref<1x50x128xf32, #tpu.memory_space<hbm>>
            %dma_wait3A_227 = tpu.memref_squeeze %dma_wait3A_226 : memref<1x50x128xf32, #tpu.memory_space<hbm>> -> memref<50x128xf32, #tpu.memory_space<hbm>>
            %dma_wait3A_228 = arith.constant 0 : i32
            %dma_wait3A_229 = arith.constant 0 : i32
            %dma_wait3A_230 = tpu.memref_slice %arg4[%dma_wait3A_220, %dma_wait3A_228, %dma_wait3A_229] : memref<4096x50x128xf32, #tpu.memory_space<hbm>> -> memref<1x50x128xf32, #tpu.memory_space<hbm>>
            %dma_wait3A_231 = tpu.memref_squeeze %dma_wait3A_230 : memref<1x50x128xf32, #tpu.memory_space<hbm>> -> memref<50x128xf32, #tpu.memory_space<hbm>>
            %dma_wait3A_232 = arith.constant 50 : i32
            %dma_wait3A_233 = arith.constant 0 : i32
            %dma_wait3A_234 = tpu.memref_slice %arg9[%dma_wait3A_232, %dma_wait3A_233] : memref<100x128xf32, #tpu.memory_space<vmem>> -> memref<50x128xf32, #tpu.memory_space<vmem>>
            tpu.wait_dma2 semaphore(%arg19 : memref<!tpu.dma_semaphore, #tpu.memory_space<semaphore_mem>>) src(%dma_wait3A_234 : memref<50x128xf32, #tpu.memory_space<vmem>>) dst(%dma_wait3A_231 : memref<50x128xf32, #tpu.memory_space<hbm>>)
          } else {
          }
          %dma_start3A = arith.constant 0 : i32
          %dma_start3A_200 = tpu.memref_slice %arg5[%scan3A_160, %dma_start3A] : memref<64x128xi32, #tpu.memory_space<vmem>> -> memref<1x100xi32, #tpu.memory_space<vmem>>
          %dma_start3A_201 = tpu.memref_squeeze %dma_start3A_200 : memref<1x100xi32, #tpu.memory_space<vmem>> -> memref<100xi32, #tpu.memory_space<vmem>>
          %dma_start3A_202 = arith.constant 0 : i32
          %dma_start3A_203 = arith.constant 0 : i32
          %dma_start3A_204 = tpu.memref_slice %arg3[%dma_start3A_202, %dma_start3A_203] : memref<100000x128xf32, #tpu.memory_space<hbm>> -> memref<100000x128xf32, #tpu.memory_space<hbm>>
          tpu.enqueue_indirect_dma source(%dma_start3A_204 : memref<100000x128xf32, #tpu.memory_space<hbm>>) target(%arg9 : memref<100x128xf32, #tpu.memory_space<vmem>>) offsets(%dma_start3A_201 : memref<100xi32, #tpu.memory_space<vmem>>) semaphore(%arg14 : memref<!tpu.dma_semaphore, #tpu.memory_space<semaphore_mem>>)
        } else {
        }
        %eq3A_190 = arith.constant 4 : i32
        %eq3A_191 = arith.cmpi eq, %rem3A_170, %eq3A_190 : i32
        %convert_element_type3A_192 = arith.extui %eq3A_191 : i1 to i32
        %cond3A_193 = arith.constant 0 : i32
        %cond3A_194 = arith.cmpi ne, %convert_element_type3A_192, %cond3A_193 : i32
        scf.if %cond3A_194 {
          %ge3A_195 = arith.constant 5 : i32
          %ge3A_196 = arith.cmpi sge, %scan3A_160, %ge3A_195 : i32
          %convert_element_type3A_197 = arith.extui %ge3A_196 : i1 to i32
          %cond3A_198 = arith.constant 0 : i32
          %cond3A_199 = arith.cmpi ne, %convert_element_type3A_197, %cond3A_198 : i32
          scf.if %cond3A_199 {
            %dma_wait3A_205 = arith.constant 0 : i32
            %dma_wait3A_206 = arith.constant 0 : i32
            %dma_wait3A_207 = arith.constant 0 : i32
            %dma_wait3A_208 = tpu.memref_slice %arg10[%dma_wait3A_206, %dma_wait3A_207] : memref<100x128xf32, #tpu.memory_space<vmem>> -> memref<50x128xf32, #tpu.memory_space<vmem>>
            %dma_wait3A_209 = arith.constant 0 : i32
            %dma_wait3A_210 = arith.constant 0 : i32
            %dma_wait3A_211 = tpu.memref_slice %arg4[%dma_wait3A_205, %dma_wait3A_209, %dma_wait3A_210] : memref<4096x50x128xf32, #tpu.memory_space<hbm>> -> memref<1x50x128xf32, #tpu.memory_space<hbm>>
            %dma_wait3A_212 = tpu.memref_squeeze %dma_wait3A_211 : memref<1x50x128xf32, #tpu.memory_space<hbm>> -> memref<50x128xf32, #tpu.memory_space<hbm>>
            %dma_wait3A_213 = arith.constant 0 : i32
            %dma_wait3A_214 = arith.constant 0 : i32
            %dma_wait3A_215 = tpu.memref_slice %arg4[%dma_wait3A_205, %dma_wait3A_213, %dma_wait3A_214] : memref<4096x50x128xf32, #tpu.memory_space<hbm>> -> memref<1x50x128xf32, #tpu.memory_space<hbm>>
            %dma_wait3A_216 = tpu.memref_squeeze %dma_wait3A_215 : memref<1x50x128xf32, #tpu.memory_space<hbm>> -> memref<50x128xf32, #tpu.memory_space<hbm>>
            %dma_wait3A_217 = arith.constant 0 : i32
            %dma_wait3A_218 = arith.constant 0 : i32
            %dma_wait3A_219 = tpu.memref_slice %arg10[%dma_wait3A_217, %dma_wait3A_218] : memref<100x128xf32, #tpu.memory_space<vmem>> -> memref<50x128xf32, #tpu.memory_space<vmem>>
            tpu.wait_dma2 semaphore(%arg20 : memref<!tpu.dma_semaphore, #tpu.memory_space<semaphore_mem>>) src(%dma_wait3A_219 : memref<50x128xf32, #tpu.memory_space<vmem>>) dst(%dma_wait3A_216 : memref<50x128xf32, #tpu.memory_space<hbm>>)
            %dma_wait3A_220 = arith.constant 0 : i32
            %dma_wait3A_221 = arith.constant 50 : i32
            %dma_wait3A_222 = arith.constant 0 : i32
            %dma_wait3A_223 = tpu.memref_slice %arg10[%dma_wait3A_221, %dma_wait3A_222] : memref<100x128xf32, #tpu.memory_space<vmem>> -> memref<50x128xf32, #tpu.memory_space<vmem>>
            %dma_wait3A_224 = arith.constant 0 : i32
            %dma_wait3A_225 = arith.constant 0 : i32
            %dma_wait3A_226 = tpu.memref_slice %arg4[%dma_wait3A_220, %dma_wait3A_224, %dma_wait3A_225] : memref<4096x50x128xf32, #tpu.memory_space<hbm>> -> memref<1x50x128xf32, #tpu.memory_space<hbm>>
            %dma_wait3A_227 = tpu.memref_squeeze %dma_wait3A_226 : memref<1x50x128xf32, #tpu.memory_space<hbm>> -> memref<50x128xf32, #tpu.memory_space<hbm>>
            %dma_wait3A_228 = arith.constant 0 : i32
            %dma_wait3A_229 = arith.constant 0 : i32
            %dma_wait3A_230 = tpu.memref_slice %arg4[%dma_wait3A_220, %dma_wait3A_228, %dma_wait3A_229] : memref<4096x50x128xf32, #tpu.memory_space<hbm>> -> memref<1x50x128xf32, #tpu.memory_space<hbm>>
            %dma_wait3A_231 = tpu.memref_squeeze %dma_wait3A_230 : memref<1x50x128xf32, #tpu.memory_space<hbm>> -> memref<50x128xf32, #tpu.memory_space<hbm>>
            %dma_wait3A_232 = arith.constant 50 : i32
            %dma_wait3A_233 = arith.constant 0 : i32
            %dma_wait3A_234 = tpu.memref_slice %arg10[%dma_wait3A_232, %dma_wait3A_233] : memref<100x128xf32, #tpu.memory_space<vmem>> -> memref<50x128xf32, #tpu.memory_space<vmem>>
            tpu.wait_dma2 semaphore(%arg20 : memref<!tpu.dma_semaphore, #tpu.memory_space<semaphore_mem>>) src(%dma_wait3A_234 : memref<50x128xf32, #tpu.memory_space<vmem>>) dst(%dma_wait3A_231 : memref<50x128xf32, #tpu.memory_space<hbm>>)
          } else {
          }
          %dma_start3A = arith.constant 0 : i32
          %dma_start3A_200 = tpu.memref_slice %arg5[%scan3A_160, %dma_start3A] : memref<64x128xi32, #tpu.memory_space<vmem>> -> memref<1x100xi32, #tpu.memory_space<vmem>>
          %dma_start3A_201 = tpu.memref_squeeze %dma_start3A_200 : memref<1x100xi32, #tpu.memory_space<vmem>> -> memref<100xi32, #tpu.memory_space<vmem>>
          %dma_start3A_202 = arith.constant 0 : i32
          %dma_start3A_203 = arith.constant 0 : i32
          %dma_start3A_204 = tpu.memref_slice %arg3[%dma_start3A_202, %dma_start3A_203] : memref<100000x128xf32, #tpu.memory_space<hbm>> -> memref<100000x128xf32, #tpu.memory_space<hbm>>
          tpu.enqueue_indirect_dma source(%dma_start3A_204 : memref<100000x128xf32, #tpu.memory_space<hbm>>) target(%arg10 : memref<100x128xf32, #tpu.memory_space<vmem>>) offsets(%dma_start3A_201 : memref<100xi32, #tpu.memory_space<vmem>>) semaphore(%arg15 : memref<!tpu.dma_semaphore, #tpu.memory_space<semaphore_mem>>)
        } else {
        }
      } else {
      }
      %sub3A = arith.constant 3 : i32
      %sub3A_164 = arith.subi %scan3A_160, %sub3A : i32
      %ge3A = arith.constant 0 : i32
      %ge3A_165 = arith.cmpi sge, %sub3A_164, %ge3A : i32
      %convert_element_type3A_166 = arith.extui %ge3A_165 : i1 to i32
      %cond3A_167 = arith.constant 0 : i32
      %cond3A_168 = arith.cmpi ne, %convert_element_type3A_166, %cond3A_167 : i32
      scf.if %cond3A_168 {
        %rem3A = arith.constant 5 : i32
        %rem3A_170 = arith.remsi %sub3A_164, %rem3A : i32
        %eq3A = arith.constant 0 : i32
        %eq3A_171 = arith.cmpi eq, %rem3A_170, %eq3A : i32
        %convert_element_type3A_172 = arith.extui %eq3A_171 : i1 to i32
        %cond3A_173 = arith.constant 0 : i32
        %cond3A_174 = arith.cmpi ne, %convert_element_type3A_172, %cond3A_173 : i32
        scf.if %cond3A_174 {
          %dma_wait3A_195 = arith.constant 0 : i32
          %dma_wait3A_196 = tpu.memref_slice %arg5[%sub3A_164, %dma_wait3A_195] : memref<64x128xi32, #tpu.memory_space<vmem>> -> memref<1x100xi32, #tpu.memory_space<vmem>>
          %dma_wait3A_197 = tpu.memref_squeeze %dma_wait3A_196 : memref<1x100xi32, #tpu.memory_space<vmem>> -> memref<100xi32, #tpu.memory_space<vmem>>
          %dma_wait3A_198 = arith.constant 0 : i32
          %dma_wait3A_199 = arith.constant 0 : i32
          %dma_wait3A_200 = tpu.memref_slice %arg3[%dma_wait3A_198, %dma_wait3A_199] : memref<100000x128xf32, #tpu.memory_space<hbm>> -> memref<100000x128xf32, #tpu.memory_space<hbm>>
          tpu.wait_indirect_dma semaphore(%arg11 : memref<!tpu.dma_semaphore, #tpu.memory_space<semaphore_mem>>) src(%dma_wait3A_200 : memref<100000x128xf32, #tpu.memory_space<hbm>>) dst(%arg6 : memref<100x128xf32, #tpu.memory_space<vmem>>)
          %mul3A_201 = arith.constant 2 : i32
          %mul3A_202 = arith.muli %sub3A_164, %mul3A_201 : i32
          %add3A_203 = arith.addi %mul3A_4, %mul3A_202 : i32
          %add3A_204 = arith.constant 0 : i32
          %add3A_205 = arith.addi %add3A_203, %add3A_204 : i32
          %dma_start3A = arith.constant 0 : i32
          %dma_start3A_206 = arith.constant 0 : i32
          %dma_start3A_207 = tpu.memref_slice %arg6[%dma_start3A, %dma_start3A_206] : memref<100x128xf32, #tpu.memory_space<vmem>> -> memref<50x128xf32, #tpu.memory_space<vmem>>
          %dma_start3A_208 = arith.constant 0 : i32
          %dma_start3A_209 = arith.constant 0 : i32
          %dma_start3A_210 = tpu.memref_slice %arg4[%add3A_205, %dma_start3A_208, %dma_start3A_209] : memref<4096x50x128xf32, #tpu.memory_space<hbm>> -> memref<1x50x128xf32, #tpu.memory_space<hbm>>
          %dma_start3A_211 = tpu.memref_squeeze %dma_start3A_210 : memref<1x50x128xf32, #tpu.memory_space<hbm>> -> memref<50x128xf32, #tpu.memory_space<hbm>>
          %dma_start3A_212 = arith.constant 0 : i32
          %dma_start3A_213 = arith.constant 0 : i32
          %dma_start3A_214 = tpu.memref_slice %arg4[%add3A_205, %dma_start3A_212, %dma_start3A_213] : memref<4096x50x128xf32, #tpu.memory_space<hbm>> -> memref<1x50x128xf32, #tpu.memory_space<hbm>>
          %dma_start3A_215 = tpu.memref_squeeze %dma_start3A_214 : memref<1x50x128xf32, #tpu.memory_space<hbm>> -> memref<50x128xf32, #tpu.memory_space<hbm>>
          %dma_start3A_216 = arith.constant 0 : i32
          %dma_start3A_217 = arith.constant 0 : i32
          %dma_start3A_218 = tpu.memref_slice %arg6[%dma_start3A_216, %dma_start3A_217] : memref<100x128xf32, #tpu.memory_space<vmem>> -> memref<50x128xf32, #tpu.memory_space<vmem>>
          tpu.enqueue_dma source(%dma_start3A_218 : memref<50x128xf32, #tpu.memory_space<vmem>>) target(%dma_start3A_215 : memref<50x128xf32, #tpu.memory_space<hbm>>) target_semaphore(%arg16 : memref<!tpu.dma_semaphore, #tpu.memory_space<semaphore_mem>>)
          %mul3A_219 = arith.constant 2 : i32
          %mul3A_220 = arith.muli %sub3A_164, %mul3A_219 : i32
          %add3A_221 = arith.addi %mul3A_4, %mul3A_220 : i32
          %add3A_222 = arith.constant 1 : i32
          %add3A_223 = arith.addi %add3A_221, %add3A_222 : i32
          %dma_start3A_224 = arith.constant 50 : i32
          %dma_start3A_225 = arith.constant 0 : i32
          %dma_start3A_226 = tpu.memref_slice %arg6[%dma_start3A_224, %dma_start3A_225] : memref<100x128xf32, #tpu.memory_space<vmem>> -> memref<50x128xf32, #tpu.memory_space<vmem>>
          %dma_start3A_227 = arith.constant 0 : i32
          %dma_start3A_228 = arith.constant 0 : i32
          %dma_start3A_229 = tpu.memref_slice %arg4[%add3A_223, %dma_start3A_227, %dma_start3A_228] : memref<4096x50x128xf32, #tpu.memory_space<hbm>> -> memref<1x50x128xf32, #tpu.memory_space<hbm>>
          %dma_start3A_230 = tpu.memref_squeeze %dma_start3A_229 : memref<1x50x128xf32, #tpu.memory_space<hbm>> -> memref<50x128xf32, #tpu.memory_space<hbm>>
          %dma_start3A_231 = arith.constant 0 : i32
          %dma_start3A_232 = arith.constant 0 : i32
          %dma_start3A_233 = tpu.memref_slice %arg4[%add3A_223, %dma_start3A_231, %dma_start3A_232] : memref<4096x50x128xf32, #tpu.memory_space<hbm>> -> memref<1x50x128xf32, #tpu.memory_space<hbm>>
          %dma_start3A_234 = tpu.memref_squeeze %dma_start3A_233 : memref<1x50x128xf32, #tpu.memory_space<hbm>> -> memref<50x128xf32, #tpu.memory_space<hbm>>
          %dma_start3A_235 = arith.constant 50 : i32
          %dma_start3A_236 = arith.constant 0 : i32
          %dma_start3A_237 = tpu.memref_slice %arg6[%dma_start3A_235, %dma_start3A_236] : memref<100x128xf32, #tpu.memory_space<vmem>> -> memref<50x128xf32, #tpu.memory_space<vmem>>
          tpu.enqueue_dma source(%dma_start3A_237 : memref<50x128xf32, #tpu.memory_space<vmem>>) target(%dma_start3A_234 : memref<50x128xf32, #tpu.memory_space<hbm>>) target_semaphore(%arg16 : memref<!tpu.dma_semaphore, #tpu.memory_space<semaphore_mem>>)
        } else {
        }
        %eq3A_175 = arith.constant 1 : i32
        %eq3A_176 = arith.cmpi eq, %rem3A_170, %eq3A_175 : i32
        %convert_element_type3A_177 = arith.extui %eq3A_176 : i1 to i32
        %cond3A_178 = arith.constant 0 : i32
        %cond3A_179 = arith.cmpi ne, %convert_element_type3A_177, %cond3A_178 : i32
        scf.if %cond3A_179 {
          %dma_wait3A_195 = arith.constant 0 : i32
          %dma_wait3A_196 = tpu.memref_slice %arg5[%sub3A_164, %dma_wait3A_195] : memref<64x128xi32, #tpu.memory_space<vmem>> -> memref<1x100xi32, #tpu.memory_space<vmem>>
          %dma_wait3A_197 = tpu.memref_squeeze %dma_wait3A_196 : memref<1x100xi32, #tpu.memory_space<vmem>> -> memref<100xi32, #tpu.memory_space<vmem>>
          %dma_wait3A_198 = arith.constant 0 : i32
          %dma_wait3A_199 = arith.constant 0 : i32
          %dma_wait3A_200 = tpu.memref_slice %arg3[%dma_wait3A_198, %dma_wait3A_199] : memref<100000x128xf32, #tpu.memory_space<hbm>> -> memref<100000x128xf32, #tpu.memory_space<hbm>>
          tpu.wait_indirect_dma semaphore(%arg12 : memref<!tpu.dma_semaphore, #tpu.memory_space<semaphore_mem>>) src(%dma_wait3A_200 : memref<100000x128xf32, #tpu.memory_space<hbm>>) dst(%arg7 : memref<100x128xf32, #tpu.memory_space<vmem>>)
          %mul3A_201 = arith.constant 2 : i32
          %mul3A_202 = arith.muli %sub3A_164, %mul3A_201 : i32
          %add3A_203 = arith.addi %mul3A_4, %mul3A_202 : i32
          %add3A_204 = arith.constant 0 : i32
          %add3A_205 = arith.addi %add3A_203, %add3A_204 : i32
          %dma_start3A = arith.constant 0 : i32
          %dma_start3A_206 = arith.constant 0 : i32
          %dma_start3A_207 = tpu.memref_slice %arg7[%dma_start3A, %dma_start3A_206] : memref<100x128xf32, #tpu.memory_space<vmem>> -> memref<50x128xf32, #tpu.memory_space<vmem>>
          %dma_start3A_208 = arith.constant 0 : i32
          %dma_start3A_209 = arith.constant 0 : i32
          %dma_start3A_210 = tpu.memref_slice %arg4[%add3A_205, %dma_start3A_208, %dma_start3A_209] : memref<4096x50x128xf32, #tpu.memory_space<hbm>> -> memref<1x50x128xf32, #tpu.memory_space<hbm>>
          %dma_start3A_211 = tpu.memref_squeeze %dma_start3A_210 : memref<1x50x128xf32, #tpu.memory_space<hbm>> -> memref<50x128xf32, #tpu.memory_space<hbm>>
          %dma_start3A_212 = arith.constant 0 : i32
          %dma_start3A_213 = arith.constant 0 : i32
          %dma_start3A_214 = tpu.memref_slice %arg4[%add3A_205, %dma_start3A_212, %dma_start3A_213] : memref<4096x50x128xf32, #tpu.memory_space<hbm>> -> memref<1x50x128xf32, #tpu.memory_space<hbm>>
          %dma_start3A_215 = tpu.memref_squeeze %dma_start3A_214 : memref<1x50x128xf32, #tpu.memory_space<hbm>> -> memref<50x128xf32, #tpu.memory_space<hbm>>
          %dma_start3A_216 = arith.constant 0 : i32
          %dma_start3A_217 = arith.constant 0 : i32
          %dma_start3A_218 = tpu.memref_slice %arg7[%dma_start3A_216, %dma_start3A_217] : memref<100x128xf32, #tpu.memory_space<vmem>> -> memref<50x128xf32, #tpu.memory_space<vmem>>
          tpu.enqueue_dma source(%dma_start3A_218 : memref<50x128xf32, #tpu.memory_space<vmem>>) target(%dma_start3A_215 : memref<50x128xf32, #tpu.memory_space<hbm>>) target_semaphore(%arg17 : memref<!tpu.dma_semaphore, #tpu.memory_space<semaphore_mem>>)
          %mul3A_219 = arith.constant 2 : i32
          %mul3A_220 = arith.muli %sub3A_164, %mul3A_219 : i32
          %add3A_221 = arith.addi %mul3A_4, %mul3A_220 : i32
          %add3A_222 = arith.constant 1 : i32
          %add3A_223 = arith.addi %add3A_221, %add3A_222 : i32
          %dma_start3A_224 = arith.constant 50 : i32
          %dma_start3A_225 = arith.constant 0 : i32
          %dma_start3A_226 = tpu.memref_slice %arg7[%dma_start3A_224, %dma_start3A_225] : memref<100x128xf32, #tpu.memory_space<vmem>> -> memref<50x128xf32, #tpu.memory_space<vmem>>
          %dma_start3A_227 = arith.constant 0 : i32
          %dma_start3A_228 = arith.constant 0 : i32
          %dma_start3A_229 = tpu.memref_slice %arg4[%add3A_223, %dma_start3A_227, %dma_start3A_228] : memref<4096x50x128xf32, #tpu.memory_space<hbm>> -> memref<1x50x128xf32, #tpu.memory_space<hbm>>
          %dma_start3A_230 = tpu.memref_squeeze %dma_start3A_229 : memref<1x50x128xf32, #tpu.memory_space<hbm>> -> memref<50x128xf32, #tpu.memory_space<hbm>>
          %dma_start3A_231 = arith.constant 0 : i32
          %dma_start3A_232 = arith.constant 0 : i32
          %dma_start3A_233 = tpu.memref_slice %arg4[%add3A_223, %dma_start3A_231, %dma_start3A_232] : memref<4096x50x128xf32, #tpu.memory_space<hbm>> -> memref<1x50x128xf32, #tpu.memory_space<hbm>>
          %dma_start3A_234 = tpu.memref_squeeze %dma_start3A_233 : memref<1x50x128xf32, #tpu.memory_space<hbm>> -> memref<50x128xf32, #tpu.memory_space<hbm>>
          %dma_start3A_235 = arith.constant 50 : i32
          %dma_start3A_236 = arith.constant 0 : i32
          %dma_start3A_237 = tpu.memref_slice %arg7[%dma_start3A_235, %dma_start3A_236] : memref<100x128xf32, #tpu.memory_space<vmem>> -> memref<50x128xf32, #tpu.memory_space<vmem>>
          tpu.enqueue_dma source(%dma_start3A_237 : memref<50x128xf32, #tpu.memory_space<vmem>>) target(%dma_start3A_234 : memref<50x128xf32, #tpu.memory_space<hbm>>) target_semaphore(%arg17 : memref<!tpu.dma_semaphore, #tpu.memory_space<semaphore_mem>>)
        } else {
        }
        %eq3A_180 = arith.constant 2 : i32
        %eq3A_181 = arith.cmpi eq, %rem3A_170, %eq3A_180 : i32
        %convert_element_type3A_182 = arith.extui %eq3A_181 : i1 to i32
        %cond3A_183 = arith.constant 0 : i32
        %cond3A_184 = arith.cmpi ne, %convert_element_type3A_182, %cond3A_183 : i32
        scf.if %cond3A_184 {
          %dma_wait3A_195 = arith.constant 0 : i32
          %dma_wait3A_196 = tpu.memref_slice %arg5[%sub3A_164, %dma_wait3A_195] : memref<64x128xi32, #tpu.memory_space<vmem>> -> memref<1x100xi32, #tpu.memory_space<vmem>>
          %dma_wait3A_197 = tpu.memref_squeeze %dma_wait3A_196 : memref<1x100xi32, #tpu.memory_space<vmem>> -> memref<100xi32, #tpu.memory_space<vmem>>
          %dma_wait3A_198 = arith.constant 0 : i32
          %dma_wait3A_199 = arith.constant 0 : i32
          %dma_wait3A_200 = tpu.memref_slice %arg3[%dma_wait3A_198, %dma_wait3A_199] : memref<100000x128xf32, #tpu.memory_space<hbm>> -> memref<100000x128xf32, #tpu.memory_space<hbm>>
          tpu.wait_indirect_dma semaphore(%arg13 : memref<!tpu.dma_semaphore, #tpu.memory_space<semaphore_mem>>) src(%dma_wait3A_200 : memref<100000x128xf32, #tpu.memory_space<hbm>>) dst(%arg8 : memref<100x128xf32, #tpu.memory_space<vmem>>)
          %mul3A_201 = arith.constant 2 : i32
          %mul3A_202 = arith.muli %sub3A_164, %mul3A_201 : i32
          %add3A_203 = arith.addi %mul3A_4, %mul3A_202 : i32
          %add3A_204 = arith.constant 0 : i32
          %add3A_205 = arith.addi %add3A_203, %add3A_204 : i32
          %dma_start3A = arith.constant 0 : i32
          %dma_start3A_206 = arith.constant 0 : i32
          %dma_start3A_207 = tpu.memref_slice %arg8[%dma_start3A, %dma_start3A_206] : memref<100x128xf32, #tpu.memory_space<vmem>> -> memref<50x128xf32, #tpu.memory_space<vmem>>
          %dma_start3A_208 = arith.constant 0 : i32
          %dma_start3A_209 = arith.constant 0 : i32
          %dma_start3A_210 = tpu.memref_slice %arg4[%add3A_205, %dma_start3A_208, %dma_start3A_209] : memref<4096x50x128xf32, #tpu.memory_space<hbm>> -> memref<1x50x128xf32, #tpu.memory_space<hbm>>
          %dma_start3A_211 = tpu.memref_squeeze %dma_start3A_210 : memref<1x50x128xf32, #tpu.memory_space<hbm>> -> memref<50x128xf32, #tpu.memory_space<hbm>>
          %dma_start3A_212 = arith.constant 0 : i32
          %dma_start3A_213 = arith.constant 0 : i32
          %dma_start3A_214 = tpu.memref_slice %arg4[%add3A_205, %dma_start3A_212, %dma_start3A_213] : memref<4096x50x128xf32, #tpu.memory_space<hbm>> -> memref<1x50x128xf32, #tpu.memory_space<hbm>>
          %dma_start3A_215 = tpu.memref_squeeze %dma_start3A_214 : memref<1x50x128xf32, #tpu.memory_space<hbm>> -> memref<50x128xf32, #tpu.memory_space<hbm>>
          %dma_start3A_216 = arith.constant 0 : i32
          %dma_start3A_217 = arith.constant 0 : i32
          %dma_start3A_218 = tpu.memref_slice %arg8[%dma_start3A_216, %dma_start3A_217] : memref<100x128xf32, #tpu.memory_space<vmem>> -> memref<50x128xf32, #tpu.memory_space<vmem>>
          tpu.enqueue_dma source(%dma_start3A_218 : memref<50x128xf32, #tpu.memory_space<vmem>>) target(%dma_start3A_215 : memref<50x128xf32, #tpu.memory_space<hbm>>) target_semaphore(%arg18 : memref<!tpu.dma_semaphore, #tpu.memory_space<semaphore_mem>>)
          %mul3A_219 = arith.constant 2 : i32
          %mul3A_220 = arith.muli %sub3A_164, %mul3A_219 : i32
          %add3A_221 = arith.addi %mul3A_4, %mul3A_220 : i32
          %add3A_222 = arith.constant 1 : i32
          %add3A_223 = arith.addi %add3A_221, %add3A_222 : i32
          %dma_start3A_224 = arith.constant 50 : i32
          %dma_start3A_225 = arith.constant 0 : i32
          %dma_start3A_226 = tpu.memref_slice %arg8[%dma_start3A_224, %dma_start3A_225] : memref<100x128xf32, #tpu.memory_space<vmem>> -> memref<50x128xf32, #tpu.memory_space<vmem>>
          %dma_start3A_227 = arith.constant 0 : i32
          %dma_start3A_228 = arith.constant 0 : i32
          %dma_start3A_229 = tpu.memref_slice %arg4[%add3A_223, %dma_start3A_227, %dma_start3A_228] : memref<4096x50x128xf32, #tpu.memory_space<hbm>> -> memref<1x50x128xf32, #tpu.memory_space<hbm>>
          %dma_start3A_230 = tpu.memref_squeeze %dma_start3A_229 : memref<1x50x128xf32, #tpu.memory_space<hbm>> -> memref<50x128xf32, #tpu.memory_space<hbm>>
          %dma_start3A_231 = arith.constant 0 : i32
          %dma_start3A_232 = arith.constant 0 : i32
          %dma_start3A_233 = tpu.memref_slice %arg4[%add3A_223, %dma_start3A_231, %dma_start3A_232] : memref<4096x50x128xf32, #tpu.memory_space<hbm>> -> memref<1x50x128xf32, #tpu.memory_space<hbm>>
          %dma_start3A_234 = tpu.memref_squeeze %dma_start3A_233 : memref<1x50x128xf32, #tpu.memory_space<hbm>> -> memref<50x128xf32, #tpu.memory_space<hbm>>
          %dma_start3A_235 = arith.constant 50 : i32
          %dma_start3A_236 = arith.constant 0 : i32
          %dma_start3A_237 = tpu.memref_slice %arg8[%dma_start3A_235, %dma_start3A_236] : memref<100x128xf32, #tpu.memory_space<vmem>> -> memref<50x128xf32, #tpu.memory_space<vmem>>
          tpu.enqueue_dma source(%dma_start3A_237 : memref<50x128xf32, #tpu.memory_space<vmem>>) target(%dma_start3A_234 : memref<50x128xf32, #tpu.memory_space<hbm>>) target_semaphore(%arg18 : memref<!tpu.dma_semaphore, #tpu.memory_space<semaphore_mem>>)
        } else {
        }
        %eq3A_185 = arith.constant 3 : i32
        %eq3A_186 = arith.cmpi eq, %rem3A_170, %eq3A_185 : i32
        %convert_element_type3A_187 = arith.extui %eq3A_186 : i1 to i32
        %cond3A_188 = arith.constant 0 : i32
        %cond3A_189 = arith.cmpi ne, %convert_element_type3A_187, %cond3A_188 : i32
        scf.if %cond3A_189 {
          %dma_wait3A_195 = arith.constant 0 : i32
          %dma_wait3A_196 = tpu.memref_slice %arg5[%sub3A_164, %dma_wait3A_195] : memref<64x128xi32, #tpu.memory_space<vmem>> -> memref<1x100xi32, #tpu.memory_space<vmem>>
          %dma_wait3A_197 = tpu.memref_squeeze %dma_wait3A_196 : memref<1x100xi32, #tpu.memory_space<vmem>> -> memref<100xi32, #tpu.memory_space<vmem>>
          %dma_wait3A_198 = arith.constant 0 : i32
          %dma_wait3A_199 = arith.constant 0 : i32
          %dma_wait3A_200 = tpu.memref_slice %arg3[%dma_wait3A_198, %dma_wait3A_199] : memref<100000x128xf32, #tpu.memory_space<hbm>> -> memref<100000x128xf32, #tpu.memory_space<hbm>>
          tpu.wait_indirect_dma semaphore(%arg14 : memref<!tpu.dma_semaphore, #tpu.memory_space<semaphore_mem>>) src(%dma_wait3A_200 : memref<100000x128xf32, #tpu.memory_space<hbm>>) dst(%arg9 : memref<100x128xf32, #tpu.memory_space<vmem>>)
          %mul3A_201 = arith.constant 2 : i32
          %mul3A_202 = arith.muli %sub3A_164, %mul3A_201 : i32
          %add3A_203 = arith.addi %mul3A_4, %mul3A_202 : i32
          %add3A_204 = arith.constant 0 : i32
          %add3A_205 = arith.addi %add3A_203, %add3A_204 : i32
          %dma_start3A = arith.constant 0 : i32
          %dma_start3A_206 = arith.constant 0 : i32
          %dma_start3A_207 = tpu.memref_slice %arg9[%dma_start3A, %dma_start3A_206] : memref<100x128xf32, #tpu.memory_space<vmem>> -> memref<50x128xf32, #tpu.memory_space<vmem>>
          %dma_start3A_208 = arith.constant 0 : i32
          %dma_start3A_209 = arith.constant 0 : i32
          %dma_start3A_210 = tpu.memref_slice %arg4[%add3A_205, %dma_start3A_208, %dma_start3A_209] : memref<4096x50x128xf32, #tpu.memory_space<hbm>> -> memref<1x50x128xf32, #tpu.memory_space<hbm>>
          %dma_start3A_211 = tpu.memref_squeeze %dma_start3A_210 : memref<1x50x128xf32, #tpu.memory_space<hbm>> -> memref<50x128xf32, #tpu.memory_space<hbm>>
          %dma_start3A_212 = arith.constant 0 : i32
          %dma_start3A_213 = arith.constant 0 : i32
          %dma_start3A_214 = tpu.memref_slice %arg4[%add3A_205, %dma_start3A_212, %dma_start3A_213] : memref<4096x50x128xf32, #tpu.memory_space<hbm>> -> memref<1x50x128xf32, #tpu.memory_space<hbm>>
          %dma_start3A_215 = tpu.memref_squeeze %dma_start3A_214 : memref<1x50x128xf32, #tpu.memory_space<hbm>> -> memref<50x128xf32, #tpu.memory_space<hbm>>
          %dma_start3A_216 = arith.constant 0 : i32
          %dma_start3A_217 = arith.constant 0 : i32
          %dma_start3A_218 = tpu.memref_slice %arg9[%dma_start3A_216, %dma_start3A_217] : memref<100x128xf32, #tpu.memory_space<vmem>> -> memref<50x128xf32, #tpu.memory_space<vmem>>
          tpu.enqueue_dma source(%dma_start3A_218 : memref<50x128xf32, #tpu.memory_space<vmem>>) target(%dma_start3A_215 : memref<50x128xf32, #tpu.memory_space<hbm>>) target_semaphore(%arg19 : memref<!tpu.dma_semaphore, #tpu.memory_space<semaphore_mem>>)
          %mul3A_219 = arith.constant 2 : i32
          %mul3A_220 = arith.muli %sub3A_164, %mul3A_219 : i32
          %add3A_221 = arith.addi %mul3A_4, %mul3A_220 : i32
          %add3A_222 = arith.constant 1 : i32
          %add3A_223 = arith.addi %add3A_221, %add3A_222 : i32
          %dma_start3A_224 = arith.constant 50 : i32
          %dma_start3A_225 = arith.constant 0 : i32
          %dma_start3A_226 = tpu.memref_slice %arg9[%dma_start3A_224, %dma_start3A_225] : memref<100x128xf32, #tpu.memory_space<vmem>> -> memref<50x128xf32, #tpu.memory_space<vmem>>
          %dma_start3A_227 = arith.constant 0 : i32
          %dma_start3A_228 = arith.constant 0 : i32
          %dma_start3A_229 = tpu.memref_slice %arg4[%add3A_223, %dma_start3A_227, %dma_start3A_228] : memref<4096x50x128xf32, #tpu.memory_space<hbm>> -> memref<1x50x128xf32, #tpu.memory_space<hbm>>
          %dma_start3A_230 = tpu.memref_squeeze %dma_start3A_229 : memref<1x50x128xf32, #tpu.memory_space<hbm>> -> memref<50x128xf32, #tpu.memory_space<hbm>>
          %dma_start3A_231 = arith.constant 0 : i32
          %dma_start3A_232 = arith.constant 0 : i32
          %dma_start3A_233 = tpu.memref_slice %arg4[%add3A_223, %dma_start3A_231, %dma_start3A_232] : memref<4096x50x128xf32, #tpu.memory_space<hbm>> -> memref<1x50x128xf32, #tpu.memory_space<hbm>>
          %dma_start3A_234 = tpu.memref_squeeze %dma_start3A_233 : memref<1x50x128xf32, #tpu.memory_space<hbm>> -> memref<50x128xf32, #tpu.memory_space<hbm>>
          %dma_start3A_235 = arith.constant 50 : i32
          %dma_start3A_236 = arith.constant 0 : i32
          %dma_start3A_237 = tpu.memref_slice %arg9[%dma_start3A_235, %dma_start3A_236] : memref<100x128xf32, #tpu.memory_space<vmem>> -> memref<50x128xf32, #tpu.memory_space<vmem>>
          tpu.enqueue_dma source(%dma_start3A_237 : memref<50x128xf32, #tpu.memory_space<vmem>>) target(%dma_start3A_234 : memref<50x128xf32, #tpu.memory_space<hbm>>) target_semaphore(%arg19 : memref<!tpu.dma_semaphore, #tpu.memory_space<semaphore_mem>>)
        } else {
        }
        %eq3A_190 = arith.constant 4 : i32
        %eq3A_191 = arith.cmpi eq, %rem3A_170, %eq3A_190 : i32
        %convert_element_type3A_192 = arith.extui %eq3A_191 : i1 to i32
        %cond3A_193 = arith.constant 0 : i32
        %cond3A_194 = arith.cmpi ne, %convert_element_type3A_192, %cond3A_193 : i32
        scf.if %cond3A_194 {
          %dma_wait3A_195 = arith.constant 0 : i32
          %dma_wait3A_196 = tpu.memref_slice %arg5[%sub3A_164, %dma_wait3A_195] : memref<64x128xi32, #tpu.memory_space<vmem>> -> memref<1x100xi32, #tpu.memory_space<vmem>>
          %dma_wait3A_197 = tpu.memref_squeeze %dma_wait3A_196 : memref<1x100xi32, #tpu.memory_space<vmem>> -> memref<100xi32, #tpu.memory_space<vmem>>
          %dma_wait3A_198 = arith.constant 0 : i32
          %dma_wait3A_199 = arith.constant 0 : i32
          %dma_wait3A_200 = tpu.memref_slice %arg3[%dma_wait3A_198, %dma_wait3A_199] : memref<100000x128xf32, #tpu.memory_space<hbm>> -> memref<100000x128xf32, #tpu.memory_space<hbm>>
          tpu.wait_indirect_dma semaphore(%arg15 : memref<!tpu.dma_semaphore, #tpu.memory_space<semaphore_mem>>) src(%dma_wait3A_200 : memref<100000x128xf32, #tpu.memory_space<hbm>>) dst(%arg10 : memref<100x128xf32, #tpu.memory_space<vmem>>)
          %mul3A_201 = arith.constant 2 : i32
          %mul3A_202 = arith.muli %sub3A_164, %mul3A_201 : i32
          %add3A_203 = arith.addi %mul3A_4, %mul3A_202 : i32
          %add3A_204 = arith.constant 0 : i32
          %add3A_205 = arith.addi %add3A_203, %add3A_204 : i32
          %dma_start3A = arith.constant 0 : i32
          %dma_start3A_206 = arith.constant 0 : i32
          %dma_start3A_207 = tpu.memref_slice %arg10[%dma_start3A, %dma_start3A_206] : memref<100x128xf32, #tpu.memory_space<vmem>> -> memref<50x128xf32, #tpu.memory_space<vmem>>
          %dma_start3A_208 = arith.constant 0 : i32
          %dma_start3A_209 = arith.constant 0 : i32
          %dma_start3A_210 = tpu.memref_slice %arg4[%add3A_205, %dma_start3A_208, %dma_start3A_209] : memref<4096x50x128xf32, #tpu.memory_space<hbm>> -> memref<1x50x128xf32, #tpu.memory_space<hbm>>
          %dma_start3A_211 = tpu.memref_squeeze %dma_start3A_210 : memref<1x50x128xf32, #tpu.memory_space<hbm>> -> memref<50x128xf32, #tpu.memory_space<hbm>>
          %dma_start3A_212 = arith.constant 0 : i32
          %dma_start3A_213 = arith.constant 0 : i32
          %dma_start3A_214 = tpu.memref_slice %arg4[%add3A_205, %dma_start3A_212, %dma_start3A_213] : memref<4096x50x128xf32, #tpu.memory_space<hbm>> -> memref<1x50x128xf32, #tpu.memory_space<hbm>>
          %dma_start3A_215 = tpu.memref_squeeze %dma_start3A_214 : memref<1x50x128xf32, #tpu.memory_space<hbm>> -> memref<50x128xf32, #tpu.memory_space<hbm>>
          %dma_start3A_216 = arith.constant 0 : i32
          %dma_start3A_217 = arith.constant 0 : i32
          %dma_start3A_218 = tpu.memref_slice %arg10[%dma_start3A_216, %dma_start3A_217] : memref<100x128xf32, #tpu.memory_space<vmem>> -> memref<50x128xf32, #tpu.memory_space<vmem>>
          tpu.enqueue_dma source(%dma_start3A_218 : memref<50x128xf32, #tpu.memory_space<vmem>>) target(%dma_start3A_215 : memref<50x128xf32, #tpu.memory_space<hbm>>) target_semaphore(%arg20 : memref<!tpu.dma_semaphore, #tpu.memory_space<semaphore_mem>>)
          %mul3A_219 = arith.constant 2 : i32
          %mul3A_220 = arith.muli %sub3A_164, %mul3A_219 : i32
          %add3A_221 = arith.addi %mul3A_4, %mul3A_220 : i32
          %add3A_222 = arith.constant 1 : i32
          %add3A_223 = arith.addi %add3A_221, %add3A_222 : i32
          %dma_start3A_224 = arith.constant 50 : i32
          %dma_start3A_225 = arith.constant 0 : i32
          %dma_start3A_226 = tpu.memref_slice %arg10[%dma_start3A_224, %dma_start3A_225] : memref<100x128xf32, #tpu.memory_space<vmem>> -> memref<50x128xf32, #tpu.memory_space<vmem>>
          %dma_start3A_227 = arith.constant 0 : i32
          %dma_start3A_228 = arith.constant 0 : i32
          %dma_start3A_229 = tpu.memref_slice %arg4[%add3A_223, %dma_start3A_227, %dma_start3A_228] : memref<4096x50x128xf32, #tpu.memory_space<hbm>> -> memref<1x50x128xf32, #tpu.memory_space<hbm>>
          %dma_start3A_230 = tpu.memref_squeeze %dma_start3A_229 : memref<1x50x128xf32, #tpu.memory_space<hbm>> -> memref<50x128xf32, #tpu.memory_space<hbm>>
          %dma_start3A_231 = arith.constant 0 : i32
          %dma_start3A_232 = arith.constant 0 : i32
          %dma_start3A_233 = tpu.memref_slice %arg4[%add3A_223, %dma_start3A_231, %dma_start3A_232] : memref<4096x50x128xf32, #tpu.memory_space<hbm>> -> memref<1x50x128xf32, #tpu.memory_space<hbm>>
          %dma_start3A_234 = tpu.memref_squeeze %dma_start3A_233 : memref<1x50x128xf32, #tpu.memory_space<hbm>> -> memref<50x128xf32, #tpu.memory_space<hbm>>
          %dma_start3A_235 = arith.constant 50 : i32
          %dma_start3A_236 = arith.constant 0 : i32
          %dma_start3A_237 = tpu.memref_slice %arg10[%dma_start3A_235, %dma_start3A_236] : memref<100x128xf32, #tpu.memory_space<vmem>> -> memref<50x128xf32, #tpu.memory_space<vmem>>
          tpu.enqueue_dma source(%dma_start3A_237 : memref<50x128xf32, #tpu.memory_space<vmem>>) target(%dma_start3A_234 : memref<50x128xf32, #tpu.memory_space<hbm>>) target_semaphore(%arg20 : memref<!tpu.dma_semaphore, #tpu.memory_space<semaphore_mem>>)
        } else {
        }
      } else {
      }
      %scan3A_169 = arith.constant 0 : i32
      scf.yield %scan3A_169 : i32
    }
    %scan3A_10 = arith.constant 67 : i32
    %dma_wait3A = arith.constant 0 : i32
    %dma_wait3A_11 = arith.constant 0 : i32
    %dma_wait3A_12 = arith.constant 0 : i32
    %dma_wait3A_13 = tpu.memref_slice %arg6[%dma_wait3A_11, %dma_wait3A_12] : memref<100x128xf32, #tpu.memory_space<vmem>> -> memref<50x128xf32, #tpu.memory_space<vmem>>
    %dma_wait3A_14 = arith.constant 0 : i32
    %dma_wait3A_15 = arith.constant 0 : i32
    %dma_wait3A_16 = tpu.memref_slice %arg4[%dma_wait3A, %dma_wait3A_14, %dma_wait3A_15] : memref<4096x50x128xf32, #tpu.memory_space<hbm>> -> memref<1x50x128xf32, #tpu.memory_space<hbm>>
    %dma_wait3A_17 = tpu.memref_squeeze %dma_wait3A_16 : memref<1x50x128xf32, #tpu.memory_space<hbm>> -> memref<50x128xf32, #tpu.memory_space<hbm>>
    %dma_wait3A_18 = arith.constant 0 : i32
    %dma_wait3A_19 = arith.constant 0 : i32
    %dma_wait3A_20 = tpu.memref_slice %arg4[%dma_wait3A, %dma_wait3A_18, %dma_wait3A_19] : memref<4096x50x128xf32, #tpu.memory_space<hbm>> -> memref<1x50x128xf32, #tpu.memory_space<hbm>>
    %dma_wait3A_21 = tpu.memref_squeeze %dma_wait3A_20 : memref<1x50x128xf32, #tpu.memory_space<hbm>> -> memref<50x128xf32, #tpu.memory_space<hbm>>
    %dma_wait3A_22 = arith.constant 0 : i32
    %dma_wait3A_23 = arith.constant 0 : i32
    %dma_wait3A_24 = tpu.memref_slice %arg6[%dma_wait3A_22, %dma_wait3A_23] : memref<100x128xf32, #tpu.memory_space<vmem>> -> memref<50x128xf32, #tpu.memory_space<vmem>>
    tpu.wait_dma2 semaphore(%arg16 : memref<!tpu.dma_semaphore, #tpu.memory_space<semaphore_mem>>) src(%dma_wait3A_24 : memref<50x128xf32, #tpu.memory_space<vmem>>) dst(%dma_wait3A_21 : memref<50x128xf32, #tpu.memory_space<hbm>>)
    %dma_wait3A_25 = arith.constant 0 : i32
    %dma_wait3A_26 = arith.constant 50 : i32
    %dma_wait3A_27 = arith.constant 0 : i32
    %dma_wait3A_28 = tpu.memref_slice %arg6[%dma_wait3A_26, %dma_wait3A_27] : memref<100x128xf32, #tpu.memory_space<vmem>> -> memref<50x128xf32, #tpu.memory_space<vmem>>
    %dma_wait3A_29 = arith.constant 0 : i32
    %dma_wait3A_30 = arith.constant 0 : i32
    %dma_wait3A_31 = tpu.memref_slice %arg4[%dma_wait3A_25, %dma_wait3A_29, %dma_wait3A_30] : memref<4096x50x128xf32, #tpu.memory_space<hbm>> -> memref<1x50x128xf32, #tpu.memory_space<hbm>>
    %dma_wait3A_32 = tpu.memref_squeeze %dma_wait3A_31 : memref<1x50x128xf32, #tpu.memory_space<hbm>> -> memref<50x128xf32, #tpu.memory_space<hbm>>
    %dma_wait3A_33 = arith.constant 0 : i32
    %dma_wait3A_34 = arith.constant 0 : i32
    %dma_wait3A_35 = tpu.memref_slice %arg4[%dma_wait3A_25, %dma_wait3A_33, %dma_wait3A_34] : memref<4096x50x128xf32, #tpu.memory_space<hbm>> -> memref<1x50x128xf32, #tpu.memory_space<hbm>>
    %dma_wait3A_36 = tpu.memref_squeeze %dma_wait3A_35 : memref<1x50x128xf32, #tpu.memory_space<hbm>> -> memref<50x128xf32, #tpu.memory_space<hbm>>
    %dma_wait3A_37 = arith.constant 50 : i32
    %dma_wait3A_38 = arith.constant 0 : i32
    %dma_wait3A_39 = tpu.memref_slice %arg6[%dma_wait3A_37, %dma_wait3A_38] : memref<100x128xf32, #tpu.memory_space<vmem>> -> memref<50x128xf32, #tpu.memory_space<vmem>>
    tpu.wait_dma2 semaphore(%arg16 : memref<!tpu.dma_semaphore, #tpu.memory_space<semaphore_mem>>) src(%dma_wait3A_39 : memref<50x128xf32, #tpu.memory_space<vmem>>) dst(%dma_wait3A_36 : memref<50x128xf32, #tpu.memory_space<hbm>>)
    %dma_wait3A_40 = arith.constant 0 : i32
    %dma_wait3A_41 = arith.constant 0 : i32
    %dma_wait3A_42 = arith.constant 0 : i32
    %dma_wait3A_43 = tpu.memref_slice %arg7[%dma_wait3A_41, %dma_wait3A_42] : memref<100x128xf32, #tpu.memory_space<vmem>> -> memref<50x128xf32, #tpu.memory_space<vmem>>
    %dma_wait3A_44 = arith.constant 0 : i32
    %dma_wait3A_45 = arith.constant 0 : i32
    %dma_wait3A_46 = tpu.memref_slice %arg4[%dma_wait3A_40, %dma_wait3A_44, %dma_wait3A_45] : memref<4096x50x128xf32, #tpu.memory_space<hbm>> -> memref<1x50x128xf32, #tpu.memory_space<hbm>>
    %dma_wait3A_47 = tpu.memref_squeeze %dma_wait3A_46 : memref<1x50x128xf32, #tpu.memory_space<hbm>> -> memref<50x128xf32, #tpu.memory_space<hbm>>
    %dma_wait3A_48 = arith.constant 0 : i32
    %dma_wait3A_49 = arith.constant 0 : i32
    %dma_wait3A_50 = tpu.memref_slice %arg4[%dma_wait3A_40, %dma_wait3A_48, %dma_wait3A_49] : memref<4096x50x128xf32, #tpu.memory_space<hbm>> -> memref<1x50x128xf32, #tpu.memory_space<hbm>>
    %dma_wait3A_51 = tpu.memref_squeeze %dma_wait3A_50 : memref<1x50x128xf32, #tpu.memory_space<hbm>> -> memref<50x128xf32, #tpu.memory_space<hbm>>
    %dma_wait3A_52 = arith.constant 0 : i32
    %dma_wait3A_53 = arith.constant 0 : i32
    %dma_wait3A_54 = tpu.memref_slice %arg7[%dma_wait3A_52, %dma_wait3A_53] : memref<100x128xf32, #tpu.memory_space<vmem>> -> memref<50x128xf32, #tpu.memory_space<vmem>>
    tpu.wait_dma2 semaphore(%arg17 : memref<!tpu.dma_semaphore, #tpu.memory_space<semaphore_mem>>) src(%dma_wait3A_54 : memref<50x128xf32, #tpu.memory_space<vmem>>) dst(%dma_wait3A_51 : memref<50x128xf32, #tpu.memory_space<hbm>>)
    %dma_wait3A_55 = arith.constant 0 : i32
    %dma_wait3A_56 = arith.constant 50 : i32
    %dma_wait3A_57 = arith.constant 0 : i32
    %dma_wait3A_58 = tpu.memref_slice %arg7[%dma_wait3A_56, %dma_wait3A_57] : memref<100x128xf32, #tpu.memory_space<vmem>> -> memref<50x128xf32, #tpu.memory_space<vmem>>
    %dma_wait3A_59 = arith.constant 0 : i32
    %dma_wait3A_60 = arith.constant 0 : i32
    %dma_wait3A_61 = tpu.memref_slice %arg4[%dma_wait3A_55, %dma_wait3A_59, %dma_wait3A_60] : memref<4096x50x128xf32, #tpu.memory_space<hbm>> -> memref<1x50x128xf32, #tpu.memory_space<hbm>>
    %dma_wait3A_62 = tpu.memref_squeeze %dma_wait3A_61 : memref<1x50x128xf32, #tpu.memory_space<hbm>> -> memref<50x128xf32, #tpu.memory_space<hbm>>
    %dma_wait3A_63 = arith.constant 0 : i32
    %dma_wait3A_64 = arith.constant 0 : i32
    %dma_wait3A_65 = tpu.memref_slice %arg4[%dma_wait3A_55, %dma_wait3A_63, %dma_wait3A_64] : memref<4096x50x128xf32, #tpu.memory_space<hbm>> -> memref<1x50x128xf32, #tpu.memory_space<hbm>>
    %dma_wait3A_66 = tpu.memref_squeeze %dma_wait3A_65 : memref<1x50x128xf32, #tpu.memory_space<hbm>> -> memref<50x128xf32, #tpu.memory_space<hbm>>
    %dma_wait3A_67 = arith.constant 50 : i32
    %dma_wait3A_68 = arith.constant 0 : i32
    %dma_wait3A_69 = tpu.memref_slice %arg7[%dma_wait3A_67, %dma_wait3A_68] : memref<100x128xf32, #tpu.memory_space<vmem>> -> memref<50x128xf32, #tpu.memory_space<vmem>>
    tpu.wait_dma2 semaphore(%arg17 : memref<!tpu.dma_semaphore, #tpu.memory_space<semaphore_mem>>) src(%dma_wait3A_69 : memref<50x128xf32, #tpu.memory_space<vmem>>) dst(%dma_wait3A_66 : memref<50x128xf32, #tpu.memory_space<hbm>>)
    %dma_wait3A_70 = arith.constant 0 : i32
    %dma_wait3A_71 = arith.constant 0 : i32
    %dma_wait3A_72 = arith.constant 0 : i32
    %dma_wait3A_73 = tpu.memref_slice %arg8[%dma_wait3A_71, %dma_wait3A_72] : memref<100x128xf32, #tpu.memory_space<vmem>> -> memref<50x128xf32, #tpu.memory_space<vmem>>
    %dma_wait3A_74 = arith.constant 0 : i32
    %dma_wait3A_75 = arith.constant 0 : i32
    %dma_wait3A_76 = tpu.memref_slice %arg4[%dma_wait3A_70, %dma_wait3A_74, %dma_wait3A_75] : memref<4096x50x128xf32, #tpu.memory_space<hbm>> -> memref<1x50x128xf32, #tpu.memory_space<hbm>>
    %dma_wait3A_77 = tpu.memref_squeeze %dma_wait3A_76 : memref<1x50x128xf32, #tpu.memory_space<hbm>> -> memref<50x128xf32, #tpu.memory_space<hbm>>
    %dma_wait3A_78 = arith.constant 0 : i32
    %dma_wait3A_79 = arith.constant 0 : i32
    %dma_wait3A_80 = tpu.memref_slice %arg4[%dma_wait3A_70, %dma_wait3A_78, %dma_wait3A_79] : memref<4096x50x128xf32, #tpu.memory_space<hbm>> -> memref<1x50x128xf32, #tpu.memory_space<hbm>>
    %dma_wait3A_81 = tpu.memref_squeeze %dma_wait3A_80 : memref<1x50x128xf32, #tpu.memory_space<hbm>> -> memref<50x128xf32, #tpu.memory_space<hbm>>
    %dma_wait3A_82 = arith.constant 0 : i32
    %dma_wait3A_83 = arith.constant 0 : i32
    %dma_wait3A_84 = tpu.memref_slice %arg8[%dma_wait3A_82, %dma_wait3A_83] : memref<100x128xf32, #tpu.memory_space<vmem>> -> memref<50x128xf32, #tpu.memory_space<vmem>>
    tpu.wait_dma2 semaphore(%arg18 : memref<!tpu.dma_semaphore, #tpu.memory_space<semaphore_mem>>) src(%dma_wait3A_84 : memref<50x128xf32, #tpu.memory_space<vmem>>) dst(%dma_wait3A_81 : memref<50x128xf32, #tpu.memory_space<hbm>>)
    %dma_wait3A_85 = arith.constant 0 : i32
    %dma_wait3A_86 = arith.constant 50 : i32
    %dma_wait3A_87 = arith.constant 0 : i32
    %dma_wait3A_88 = tpu.memref_slice %arg8[%dma_wait3A_86, %dma_wait3A_87] : memref<100x128xf32, #tpu.memory_space<vmem>> -> memref<50x128xf32, #tpu.memory_space<vmem>>
    %dma_wait3A_89 = arith.constant 0 : i32
    %dma_wait3A_90 = arith.constant 0 : i32
    %dma_wait3A_91 = tpu.memref_slice %arg4[%dma_wait3A_85, %dma_wait3A_89, %dma_wait3A_90] : memref<4096x50x128xf32, #tpu.memory_space<hbm>> -> memref<1x50x128xf32, #tpu.memory_space<hbm>>
    %dma_wait3A_92 = tpu.memref_squeeze %dma_wait3A_91 : memref<1x50x128xf32, #tpu.memory_space<hbm>> -> memref<50x128xf32, #tpu.memory_space<hbm>>
    %dma_wait3A_93 = arith.constant 0 : i32
    %dma_wait3A_94 = arith.constant 0 : i32
    %dma_wait3A_95 = tpu.memref_slice %arg4[%dma_wait3A_85, %dma_wait3A_93, %dma_wait3A_94] : memref<4096x50x128xf32, #tpu.memory_space<hbm>> -> memref<1x50x128xf32, #tpu.memory_space<hbm>>
    %dma_wait3A_96 = tpu.memref_squeeze %dma_wait3A_95 : memref<1x50x128xf32, #tpu.memory_space<hbm>> -> memref<50x128xf32, #tpu.memory_space<hbm>>
    %dma_wait3A_97 = arith.constant 50 : i32
    %dma_wait3A_98 = arith.constant 0 : i32
    %dma_wait3A_99 = tpu.memref_slice %arg8[%dma_wait3A_97, %dma_wait3A_98] : memref<100x128xf32, #tpu.memory_space<vmem>> -> memref<50x128xf32, #tpu.memory_space<vmem>>
    tpu.wait_dma2 semaphore(%arg18 : memref<!tpu.dma_semaphore, #tpu.memory_space<semaphore_mem>>) src(%dma_wait3A_99 : memref<50x128xf32, #tpu.memory_space<vmem>>) dst(%dma_wait3A_96 : memref<50x128xf32, #tpu.memory_space<hbm>>)
    %dma_wait3A_100 = arith.constant 0 : i32
    %dma_wait3A_101 = arith.constant 0 : i32
    %dma_wait3A_102 = arith.constant 0 : i32
    %dma_wait3A_103 = tpu.memref_slice %arg9[%dma_wait3A_101, %dma_wait3A_102] : memref<100x128xf32, #tpu.memory_space<vmem>> -> memref<50x128xf32, #tpu.memory_space<vmem>>
    %dma_wait3A_104 = arith.constant 0 : i32
    %dma_wait3A_105 = arith.constant 0 : i32
    %dma_wait3A_106 = tpu.memref_slice %arg4[%dma_wait3A_100, %dma_wait3A_104, %dma_wait3A_105] : memref<4096x50x128xf32, #tpu.memory_space<hbm>> -> memref<1x50x128xf32, #tpu.memory_space<hbm>>
    %dma_wait3A_107 = tpu.memref_squeeze %dma_wait3A_106 : memref<1x50x128xf32, #tpu.memory_space<hbm>> -> memref<50x128xf32, #tpu.memory_space<hbm>>
    %dma_wait3A_108 = arith.constant 0 : i32
    %dma_wait3A_109 = arith.constant 0 : i32
    %dma_wait3A_110 = tpu.memref_slice %arg4[%dma_wait3A_100, %dma_wait3A_108, %dma_wait3A_109] : memref<4096x50x128xf32, #tpu.memory_space<hbm>> -> memref<1x50x128xf32, #tpu.memory_space<hbm>>
    %dma_wait3A_111 = tpu.memref_squeeze %dma_wait3A_110 : memref<1x50x128xf32, #tpu.memory_space<hbm>> -> memref<50x128xf32, #tpu.memory_space<hbm>>
    %dma_wait3A_112 = arith.constant 0 : i32
    %dma_wait3A_113 = arith.constant 0 : i32
    %dma_wait3A_114 = tpu.memref_slice %arg9[%dma_wait3A_112, %dma_wait3A_113] : memref<100x128xf32, #tpu.memory_space<vmem>> -> memref<50x128xf32, #tpu.memory_space<vmem>>
    tpu.wait_dma2 semaphore(%arg19 : memref<!tpu.dma_semaphore, #tpu.memory_space<semaphore_mem>>) src(%dma_wait3A_114 : memref<50x128xf32, #tpu.memory_space<vmem>>) dst(%dma_wait3A_111 : memref<50x128xf32, #tpu.memory_space<hbm>>)
    %dma_wait3A_115 = arith.constant 0 : i32
    %dma_wait3A_116 = arith.constant 50 : i32
    %dma_wait3A_117 = arith.constant 0 : i32
    %dma_wait3A_118 = tpu.memref_slice %arg9[%dma_wait3A_116, %dma_wait3A_117] : memref<100x128xf32, #tpu.memory_space<vmem>> -> memref<50x128xf32, #tpu.memory_space<vmem>>
    %dma_wait3A_119 = arith.constant 0 : i32
    %dma_wait3A_120 = arith.constant 0 : i32
    %dma_wait3A_121 = tpu.memref_slice %arg4[%dma_wait3A_115, %dma_wait3A_119, %dma_wait3A_120] : memref<4096x50x128xf32, #tpu.memory_space<hbm>> -> memref<1x50x128xf32, #tpu.memory_space<hbm>>
    %dma_wait3A_122 = tpu.memref_squeeze %dma_wait3A_121 : memref<1x50x128xf32, #tpu.memory_space<hbm>> -> memref<50x128xf32, #tpu.memory_space<hbm>>
    %dma_wait3A_123 = arith.constant 0 : i32
    %dma_wait3A_124 = arith.constant 0 : i32
    %dma_wait3A_125 = tpu.memref_slice %arg4[%dma_wait3A_115, %dma_wait3A_123, %dma_wait3A_124] : memref<4096x50x128xf32, #tpu.memory_space<hbm>> -> memref<1x50x128xf32, #tpu.memory_space<hbm>>
    %dma_wait3A_126 = tpu.memref_squeeze %dma_wait3A_125 : memref<1x50x128xf32, #tpu.memory_space<hbm>> -> memref<50x128xf32, #tpu.memory_space<hbm>>
    %dma_wait3A_127 = arith.constant 50 : i32
    %dma_wait3A_128 = arith.constant 0 : i32
    %dma_wait3A_129 = tpu.memref_slice %arg9[%dma_wait3A_127, %dma_wait3A_128] : memref<100x128xf32, #tpu.memory_space<vmem>> -> memref<50x128xf32, #tpu.memory_space<vmem>>
    tpu.wait_dma2 semaphore(%arg19 : memref<!tpu.dma_semaphore, #tpu.memory_space<semaphore_mem>>) src(%dma_wait3A_129 : memref<50x128xf32, #tpu.memory_space<vmem>>) dst(%dma_wait3A_126 : memref<50x128xf32, #tpu.memory_space<hbm>>)
    %dma_wait3A_130 = arith.constant 0 : i32
    %dma_wait3A_131 = arith.constant 0 : i32
    %dma_wait3A_132 = arith.constant 0 : i32
    %dma_wait3A_133 = tpu.memref_slice %arg10[%dma_wait3A_131, %dma_wait3A_132] : memref<100x128xf32, #tpu.memory_space<vmem>> -> memref<50x128xf32, #tpu.memory_space<vmem>>
    %dma_wait3A_134 = arith.constant 0 : i32
    %dma_wait3A_135 = arith.constant 0 : i32
    %dma_wait3A_136 = tpu.memref_slice %arg4[%dma_wait3A_130, %dma_wait3A_134, %dma_wait3A_135] : memref<4096x50x128xf32, #tpu.memory_space<hbm>> -> memref<1x50x128xf32, #tpu.memory_space<hbm>>
    %dma_wait3A_137 = tpu.memref_squeeze %dma_wait3A_136 : memref<1x50x128xf32, #tpu.memory_space<hbm>> -> memref<50x128xf32, #tpu.memory_space<hbm>>
    %dma_wait3A_138 = arith.constant 0 : i32
    %dma_wait3A_139 = arith.constant 0 : i32
    %dma_wait3A_140 = tpu.memref_slice %arg4[%dma_wait3A_130, %dma_wait3A_138, %dma_wait3A_139] : memref<4096x50x128xf32, #tpu.memory_space<hbm>> -> memref<1x50x128xf32, #tpu.memory_space<hbm>>
    %dma_wait3A_141 = tpu.memref_squeeze %dma_wait3A_140 : memref<1x50x128xf32, #tpu.memory_space<hbm>> -> memref<50x128xf32, #tpu.memory_space<hbm>>
    %dma_wait3A_142 = arith.constant 0 : i32
    %dma_wait3A_143 = arith.constant 0 : i32
    %dma_wait3A_144 = tpu.memref_slice %arg10[%dma_wait3A_142, %dma_wait3A_143] : memref<100x128xf32, #tpu.memory_space<vmem>> -> memref<50x128xf32, #tpu.memory_space<vmem>>
    tpu.wait_dma2 semaphore(%arg20 : memref<!tpu.dma_semaphore, #tpu.memory_space<semaphore_mem>>) src(%dma_wait3A_144 : memref<50x128xf32, #tpu.memory_space<vmem>>) dst(%dma_wait3A_141 : memref<50x128xf32, #tpu.memory_space<hbm>>)
    %dma_wait3A_145 = arith.constant 0 : i32
    %dma_wait3A_146 = arith.constant 50 : i32
    %dma_wait3A_147 = arith.constant 0 : i32
    %dma_wait3A_148 = tpu.memref_slice %arg10[%dma_wait3A_146, %dma_wait3A_147] : memref<100x128xf32, #tpu.memory_space<vmem>> -> memref<50x128xf32, #tpu.memory_space<vmem>>
    %dma_wait3A_149 = arith.constant 0 : i32
    %dma_wait3A_150 = arith.constant 0 : i32
    %dma_wait3A_151 = tpu.memref_slice %arg4[%dma_wait3A_145, %dma_wait3A_149, %dma_wait3A_150] : memref<4096x50x128xf32, #tpu.memory_space<hbm>> -> memref<1x50x128xf32, #tpu.memory_space<hbm>>
    %dma_wait3A_152 = tpu.memref_squeeze %dma_wait3A_151 : memref<1x50x128xf32, #tpu.memory_space<hbm>> -> memref<50x128xf32, #tpu.memory_space<hbm>>
    %dma_wait3A_153 = arith.constant 0 : i32
    %dma_wait3A_154 = arith.constant 0 : i32
    %dma_wait3A_155 = tpu.memref_slice %arg4[%dma_wait3A_145, %dma_wait3A_153, %dma_wait3A_154] : memref<4096x50x128xf32, #tpu.memory_space<hbm>> -> memref<1x50x128xf32, #tpu.memory_space<hbm>>
    %dma_wait3A_156 = tpu.memref_squeeze %dma_wait3A_155 : memref<1x50x128xf32, #tpu.memory_space<hbm>> -> memref<50x128xf32, #tpu.memory_space<hbm>>
    %dma_wait3A_157 = arith.constant 50 : i32
    %dma_wait3A_158 = arith.constant 0 : i32
    %dma_wait3A_159 = tpu.memref_slice %arg10[%dma_wait3A_157, %dma_wait3A_158] : memref<100x128xf32, #tpu.memory_space<vmem>> -> memref<50x128xf32, #tpu.memory_space<vmem>>
    tpu.wait_dma2 semaphore(%arg20 : memref<!tpu.dma_semaphore, #tpu.memory_space<semaphore_mem>>) src(%dma_wait3A_159 : memref<50x128xf32, #tpu.memory_space<vmem>>) dst(%dma_wait3A_156 : memref<50x128xf32, #tpu.memory_space<hbm>>)
    return
  }
}

</mosaic_0001>

<sc_bundles>
// kernel: kernel.3.cloned.1.call-start
scs
__scs_entry_jumppad:
0x0: {  	(pc) =	sbr.rel $0x88, $3  }
0x1: {  	(tag) =	ssettag $0x0;
	lr =	simm.s32 $0x1  }
0x2: {  	[smem:$0x3F9F] =	sst lr;
	_ =	strace $0xD0000000  }
0x3: {  	_ = 	snop  }
0x4: {  	_ = 	snop  }
0x5: {  	_ = 	snop  }
0x6: {  	_ = 	snop  }
0x7: {  	_ = 	snop  }
__scs_overlays_trampoline_lowered:
0x8: {  	[smem:$0x3FAE] =	sst s0  }
0x9: {  	[smem:$0x3FAF] =	sst s1  }
0xa: {  	[smem:$0x3FB0] =	sst s2  }
0xb: {  	[smem:$0x3FB1] =	sst s3  }
0xc: {  	[smem:$0x3FB2] =	sst s4  }
0xd: {  	[smem:$0x3FB3] =	sst s5  }
0xe: {  	[smem:$0x3FB4] =	sst s6  }
0xf: {  	[smem:$0x3FB5] =	sst s7  }
0x10: {  	[smem:$0x3FB6] =	sst s8  }
0x11: {  	[smem:$0x3FB7] =	sst s9;
	s0 =	simm.s32 @!p0 $0x0  }
0x12: {  	s1 =	sld [smem:$0x3F9D];
	s0 =	simm.s32 @p0 $0x1  }
0x13: {  	[smem:$0x3FB8] =	sst s0;
	s0 =	simm.s32 @!p1 $0x0  }
0x14: {  	s2 =	sld [smem:$0x3F9C];
	s0 =	simm.s32 @p1 $0x1  }
0x15: {  	[smem:$0x3FB9] =	sst s0;
	s0 =	simm.s32 @!p2 $0x0  }
0x16: {  	s3 =	sld [smem:$0x3FDB];
	s0 =	simm.s32 @p2 $0x1  }
0x17: {  	s4 =	simm.s32 $0x1BF5;
	[smem:$0x3FBB] =	sst s0  }
0x18: {  	s0 =	sld [smem:$0x3F9E];
	_ =	swait.ge [sflag:s4], $0x0  }
0x19: {  	s7 =	sld [smem:$0x3F9F]  }
0x1a: {  	s8 =	sadd.s32 $0xFFFFE003, lr  }
0x1b: {  	s9 =	sadd.s32 $0xFFFFFEF7, lr;
	s5 =	simm.s32 $0xFFFFFFFF;
	p2 =	slt.u32 s8, $0xFFFFF086  }
0x1c: {  	p1 =	slt.u32 s9, $0xF7A;
	s5 =	simm.s32 @!p2 $0x0  }
0x1d: {  	s5 =	simm.s32 @p1 $0x1;
	p0 =	seq.s32 s7, s2  }
0x1e: {  	s7 =	smul.u32 @!p0 $0xF7A, s2;
	p2 =	seq.s32 @!p0 s5, $0x0  }
0x1f: {  	s9 =	smul.u32 $0xF7A, s1;
	s8 =	simm.s32 @!p0 $0x1BF5;
	p2 =	por !p2, p0  }
0x20: {  	[sflag:s8] =	ssyncset.s32 @!p0 $0xFFFFF086;
	s6 =	sadd.s32 @!p0 s3, s7;
	s7 =	simm.s32 @!p0 $0x108  }
0x21: {  	s3 =	sadd.s32 s3, s9;
	s6 =	sadd.s32 @!p0 $0x88, s6;
	s7 =	simm.s32 @p2 $0x1082  }
0x22: {  	[simem:s7], [sflag:s8] =	dma.local @!p0 [hbm:s6], $0xF7A  }
0x23: {  	s9 =	sor.u32 $0xD0000000, s2;
	s6 =	simm.s32 $0x108;
	_ =	swait.ge @!p0 [sflag:s8], $0x0  }
0x24: {  	s3 =	sadd.s32 $0x88, s3;
	s6 =	simm.s32 @!p1 $0x1082;
	[sflag:s4] =	ssyncset.s32 $0xFFFFF086  }
0x25: {  	[simem:s6], [sflag:s4] =	dma.local [hbm:s3], $0xF7A  }
0x26: {  	[smem:$0x3F9F] =	sst s1;
	(tag) =	ssettag s2;
	_ =	strace s9  }
0x27: {  	s1 =	sld [smem:$0x3FAF]  }
0x28: {  	s2 =	sld [smem:$0x3FB0]  }
0x29: {  	s4 =	sld [smem:$0x3FB2]  }
0x2a: {  	p0 =	seq.s32 s5, $0x0;
	s5 =	sld [smem:$0x3FB3]  }
0x2b: {  	s6 =	sld [smem:$0x3FB4]  }
0x2c: {  	s7 =	sld [smem:$0x3FB5]  }
0x2d: {  	s3 =	simm.s32 $0x108;
	s8 =	sld [smem:$0x3FB6]  }
0x2e: {  	s3 =	simm.s32 @!p0 $0x1082;
	s9 =	sld [smem:$0x3FB7]  }
0x2f: {  	lr =	sadd.s32 s0, s3;
	s0 =	sld [smem:$0x3FAE]  }
0x30: {  	s3 =	sld [smem:$0x3FB1]  }
0x31: {  	[smem:$0x3FBA] =	sst s10  }
0x32: {  	s10 =	sld [smem:$0x3FB8];
	_ =	sdelay $0x3  }
0x33: {  	p0 =	seq.s32 s10, $0x1;
	s10 =	sld [smem:$0x3FBA];
	_ =	sdelay $0x3  }
0x34: {  	[smem:$0x3FBA] =	sst s10  }
0x35: {  	s10 =	sld [smem:$0x3FB9];
	_ =	sdelay $0x3  }
0x36: {  	p1 =	seq.s32 s10, $0x1;
	s10 =	sld [smem:$0x3FBA];
	_ =	sdelay $0x3  }
0x37: {  	[smem:$0x3FBA] =	sst s10  }
0x38: {  	s10 =	sld [smem:$0x3FBB]  }
0x39: {  	_ = 	snop;
	(pc) =	sbr.ind lr, $3  }
0x3a: {  	_ = 	snop  }
0x3b: {  	_ = 	snop  }
0x3c: {  	p2 =	seq.s32 s10, $0x1;
	s10 =	sld [smem:$0x3FBA]  }
0x3d: {  	_ =	shalt  }
0x3e: {  	_ =	shalt  }
0x3f: {  	_ =	shalt  }
0x40: {  	_ =	shalt  }
0x41: {  	_ =	shalt  }
0x42: {  	_ =	shalt  }
0x43: {  	_ =	shalt  }
0x44: {  	_ =	shalt  }
0x45: {  	_ =	shalt  }
0x46: {  	_ =	shalt  }
0x47: {  	_ =	shalt  }
0x48: {  	_ =	shalt  }
0x49: {  	_ =	shalt  }
0x4a: {  	_ =	shalt  }
0x4b: {  	_ =	shalt  }
0x4c: {  	_ =	shalt  }
0x4d: {  	_ =	shalt  }
0x4e: {  	_ =	shalt  }
0x4f: {  	_ =	shalt  }
0x50: {  	_ =	shalt  }
0x51: {  	_ =	shalt  }
0x52: {  	_ =	shalt  }
0x53: {  	_ =	shalt  }
0x54: {  	_ =	shalt  }
0x55: {  	_ =	shalt  }
0x56: {  	_ =	shalt  }
0x57: {  	_ =	shalt  }
0x58: {  	_ =	shalt  }
0x59: {  	_ =	shalt  }
0x5a: {  	_ =	shalt  }
0x5b: {  	_ =	shalt  }
0x5c: {  	_ =	shalt  }
0x5d: {  	_ =	shalt  }
0x5e: {  	_ =	shalt  }
0x5f: {  	_ =	shalt  }
0x60: {  	_ =	shalt  }
0x61: {  	_ =	shalt  }
0x62: {  	_ =	shalt  }
0x63: {  	_ =	shalt  }
0x64: {  	_ =	shalt  }
0x65: {  	_ =	shalt  }
0x66: {  	_ =	shalt  }
0x67: {  	_ =	shalt  }
0x68: {  	_ =	shalt  }
0x69: {  	_ =	shalt  }
0x6a: {  	_ =	shalt  }
0x6b: {  	_ =	shalt  }
0x6c: {  	_ =	shalt  }
0x6d: {  	_ =	shalt  }
0x6e: {  	_ =	shalt  }
0x6f: {  	_ =	shalt  }
0x70: {  	_ =	shalt  }
0x71: {  	_ =	shalt  }
0x72: {  	_ =	shalt  }
0x73: {  	_ =	shalt  }
0x74: {  	_ =	shalt  }
0x75: {  	_ =	shalt  }
0x76: {  	_ =	shalt  }
0x77: {  	_ =	shalt  }
0x78: {  	_ =	shalt  }
0x79: {  	_ =	shalt  }
0x7a: {  	_ =	shalt  }
0x7b: {  	_ =	shalt  }
0x7c: {  	_ =	shalt  }
0x7d: {  	_ =	shalt  }
0x7e: {  	_ =	shalt  }
0x7f: {  	_ =	shalt  }
0x80: {  	_ =	shalt  }
0x81: {  	_ =	shalt  }
0x82: {  	_ =	shalt  }
0x83: {  	_ =	shalt  }
0x84: {  	_ =	shalt  }
0x85: {  	_ =	shalt  }
0x86: {  	_ =	shalt  }
0x87: {  	_ =	shalt  }
.Lfunc_end0:
.L_simem_size_0:
called_computation_lowered:
.L_overlay_start_0:
0x88: {  	s2 =	sld [smem:$0x3FD9]  }
0x89: {  	s3 =	sld [smem:$0x3FFE];
	_ =	sdelay $0x1  }
0x8a: {  	s1 =	srdreg.scid  }
0x8b: {  	s0 =	sand.u32 $0x1, s1  }
0x8c: {  	s17 =	sshll.u32 s0, $0xA;
	s2 =	sadd.s32 s3, s2  }
0x8d: {  	s2 =	sadd.s32 s2, s17  }
0x8e: {  	[smem:$0x3FC6] =	sst s2  }
0x8f: {  	_ = 	snop  }
0x90: {  	s2 =	sld [smem:$0x3FC8]  }
0x91: {  	s18 =	sld [smem:$0x3FD0];
	(tm) =	ssettm $0x1  }
0x92: {  	s4 =	sld [smem:$0x3FFB];
	_ =	sdelay $0x3  }
0x93: {  	_ =	strace s4  }
0x94: {  	s4 =	sld [smem:$0x3FFC];
	_ =	sdelay $0x3  }
0x95: {  	_ =	strace s4  }
0x96: {  	s4 =	sld [smem:$0x3FFD];
	_ =	sdelay $0x3  }
0x97: {  	_ =	strace s4  }
0x98: {  	_ =	strace $0x8FFFFFFF  }
0x99: {  	s19 =	sld [smem:$0x3FDB];
	_ =	sdelay $0x1  }
0x9a: {  	s5 =	simm.s32 $_scs_section_size  }
0x9b: {  	s6 =	simm.s32 $_size__tile_overlayer_lowered;
	s7 =	simm.s32 $_tile_overlayer_lowered  }
0x9c: {  	s22 =	simm.s32 $0x1BFF;
	s21 =	sshll.u32 s7, $0x1;
	s4 =	sadd.s32 s5, s19  }
0x9d: {  	s8 =	simm.s32 $0x0;
	s20 =	sshll.u32 s6, $0x1;
	s6 =	sadd.s32 s21, s4  }
0x9e: {  	[timem:s8], [sflag:s22] =	dma.local [hbm:s6], s20  }
0x9f: {  	_ =	swait.ge [sflag:s22], s20  }
0xa0: {  	s5 =	ssub.s32 $0x0, s20;
	[sflag:s22] =	ssyncset.done $0x0  }
0xa1: {  	[sflag:s22] =	ssyncadd.s32 s5;
	_ =	sdelay $0x1  }
0xa2: {  	s23 =	simm.s32 $0x1B8B  }
0xa3: {  	_ =	swait.ge [sflag:s23], $0x1  }
0xa4: {  	[sflag:s23] =	ssyncset.done $0x0  }
0xa5: {  	s25 =	simm.s32 $0x1B8E;
	s24 =	sld [smem:$0x3FFE];
	[sflag:s23] =	ssyncadd.s32 $0xFFFFFFFF  }
0xa6: {  	s26 =	simm.s32 $execute0_lowered;
	[smem:$0x3FD2] =	sst s25  }
0xa7: {  	s6 =	sshll.u32 s26, $0x1;
	_ =	strace $0x80000046;
	[dreg:$0x1] =	wrdreg $0xFFFFFFFF  }
0xa8: {  	s28 =	simm.s32 $_size_execute0_lowered;
	s4 =	sadd.s32 s4, s6;
	[dreg:$0x0] =	wrdreg $0x0  }
0xa9: {  	s6 =	sshll.u32 s28, $0x1;
	[dreg:$0x2] =	wrdreg s4  }
0xaa: {  	[dreg:$0x3] =	wrdreg s6  }
0xab: {  	[dreg:$0x4] =	wrdreg $0xC0  }
0xac: {  	_ =	task [dreg:s8], $0x5FFFF  }
0xad: {  	[dreg:$0x1] =	wrdreg $0xFFFFFFFF  }
0xae: {  	[dreg:$0x0] =	wrdreg $0x60  }
0xaf: {  	[dreg:$0x2] =	wrdreg s18  }
0xb0: {  	[dreg:$0x3] =	wrdreg s2  }
0xb1: {  	[dreg:$0x4] =	wrdreg s24  }
0xb2: {  	[dreg:$0x5] =	wrdreg $0x9  }
0xb3: {  	_ =	task.clear_ibuf [dreg:s8], $0x6FFFF;
	_ =	strace $0x90000046  }
0xb4: {  	s29 =	simm.s32 $0x9;
	_ =	strace $0x80000048  }
0xb5: {  	_ =	swait.ge [sflag:s29], $0x1  }
0xb6: {  	[sflag:s29] =	ssyncadd.s32 $0xFFFFFFFF  }
0xb7: {  	_ =	strace $0x90000048  }
0xb8: {  	_ =	sfence  }
0xb9: {  	s30 =	sld [smem:$0x0];
	_ =	sdelay $0x2  }
0xba: {  	s31 =	sshll.u32 s1, $0xD;
	s1 =	sshrl.u32 s1, $0x2  }
0xbb: {  	s3 =	sand.u32 $0x4000, s31;
	s1 =	sadd.s32 s1, s30  }
0xbc: {  	s0 =	sor.u32 s3, s0;
	s1 =	sshll.u32 s1, $0x11  }
0xbd: {  	s0 =	sor.u32 s1, s0  }
0xbe: {  	s0 =	sadd.s32 $0x8F2B, s0  }
0xbf: {  	[sflag:s0] =	ssyncadd.remote.s32 $0x1  }
0xc0: {  	_ =	sfence.sel $0xFFFF  }
0xc1: {  	[dreg:$0x0] =	wrdreg $0xFFFFFFFF;
	(pc) =	sbr.abs _section_cstart, $3  }
0xc2: {  	[dreg:$0x1] =	wrdreg $0xFFFFFFFF  }
0xc3: {  	_ =	task.clear_ibuf [dreg:s8], $0x2FFFF;
	_ =	strace $0x9FFFFFFF  }
0xc4: {  	(tm) =	ssettm $0x7FFFFFFF  }
0xc5: {  	_ =	shalt  }
tec
execute0_lowered:
.L_overlay_start_1:
0x0: {  	(tag) =	ssettag $0x1  }
0x1: {  	s5 =	rddreg [dreg:$0x0]  }
0x2: {  	s1 =	rddreg [dreg:$0x1]  }
0x3: {  	s4 =	rddreg [dreg:$0x2]  }
0x4: {  	s0 =	rddreg [dreg:$0x3]  }
0x5: {  	s3 =	simm.s32 $0x0;
	s6 =	srdreg.scid;
	s2 =	stileid.u32  }
0x6: {  	s12 =	simm.s32 $0x9;
	s13 =	simm.s32 $0xA;
	s14 =	simm.s32 $0x0  }
0x7: {  	[smem:$0x7FF] =	sst s3;
	s6 =	sand.u32 $0x1, s6;
	s8 =	smul.u32 $0x1C0000, s2  }
0x8: {  	s9 =	sshll.u32 s2, $0xB;
	s4 =	sadd.s32 $0x400, s4;
	_ =	strace $0x80000047  }
.Ltmp0:
0x9: {  	s7 =	ssub.s32 $0x2, s6;
	s10 =	sshll.u32 s6, $0xA;
	(pc) =	sbr.rel .LBB2_1-.Ltmp0, $4  }
0xa: {  	s6 =	smul.u32 $0xE0000, s6;
	s11 =	sshrl.u32 s7, $0x1;
	s9 =	sor.u32 s10, s9  }
0xb: {  	s10 =	simm.s32 $0x7;
	s7 =	ssub.s32 s7, s11;
	s5 =	sadd.s32 s5, s9  }
0xc: {  	s8 =	sadd.s32 s6, s8;
	s9 =	simm.s32 $0x6;
	s11 =	simm.s32 $0x8  }
0xd: {  	s6 =	smax.u32 s7, $0x1;
	s7 =	sadd.s32 $0xFFFF7400, s8;
	s8 =	simm.s32 $0xB  }
.LBB2_9:
0xe: {  	_ =	swait.ge [sflag:s9], $0x1900  }
0xf: {  	[sflag:s9] =	ssyncset.done $0x0  }
0x10: {  	[sflag:s9] =	ssyncadd.s32 $0xFFFFE700  }
0x11: {  	_ =	swait.ge [sflag:s9], $0x1900  }
0x12: {  	[sflag:s9] =	ssyncset.done $0x0  }
0x13: {  	[sflag:s9] =	ssyncadd.s32 $0xFFFFE700  }
0x14: {  	_ =	swait.ge [sflag:s10], $0x1900  }
0x15: {  	[sflag:s10] =	ssyncset.done $0x0  }
0x16: {  	[sflag:s10] =	ssyncadd.s32 $0xFFFFE700  }
0x17: {  	_ =	swait.ge [sflag:s10], $0x1900  }
0x18: {  	[sflag:s10] =	ssyncset.done $0x0  }
0x19: {  	[sflag:s10] =	ssyncadd.s32 $0xFFFFE700  }
0x1a: {  	_ =	swait.ge [sflag:s11], $0x1900  }
0x1b: {  	[sflag:s11] =	ssyncset.done $0x0  }
0x1c: {  	[sflag:s11] =	ssyncadd.s32 $0xFFFFE700  }
0x1d: {  	_ =	swait.ge [sflag:s11], $0x1900  }
0x1e: {  	[sflag:s11] =	ssyncset.done $0x0  }
0x1f: {  	[sflag:s11] =	ssyncadd.s32 $0xFFFFE700  }
0x20: {  	_ =	swait.ge [sflag:s12], $0x1900  }
0x21: {  	[sflag:s12] =	ssyncset.done $0x0  }
0x22: {  	[sflag:s12] =	ssyncadd.s32 $0xFFFFE700  }
0x23: {  	_ =	swait.ge [sflag:s12], $0x1900  }
0x24: {  	[sflag:s12] =	ssyncset.done $0x0  }
0x25: {  	s14 =	sadd.s32 $0x1, s14;
	[sflag:s12] =	ssyncadd.s32 $0xFFFFE700  }
0x26: {  	p0 =	sne.s32 s14, s6;
	_ =	swait.ge [sflag:s13], $0x1900  }
.Ltmp1:
0x27: {  	[sflag:s13] =	ssyncset.done $0x0;
	(pc) =	sbr.rel @!p0 .LBB2_10-.Ltmp1, $4  }
0x28: {  	[sflag:s13] =	ssyncadd.s32 $0xFFFFE700  }
0x29: {  	_ =	swait.ge [sflag:s13], $0x1900  }
0x2a: {  	[sflag:s13] =	ssyncset.done $0x0  }
0x2b: {  	[sflag:s13] =	ssyncadd.s32 $0xFFFFE700  }
.LBB2_1:
.Ltmp2:
0x2c: {  	(pc) =	sbr.rel .LBB2_2-.Ltmp2, $4  }
0x2d: {  	[tilespmem:s3], [sflag:$0xB] =	stream.linear.gather [hbm4b:s5+s3], $0x2000, $0x38;
	[tilespmem:$0x12400] =	vst v63  }
0x2e: {  	_ =	swait.ge [sflag:s8], $0x2000  }
0x2f: {  	s15 =	simm.s32 $0xFFFFFFFD;
	[sflag:s8] =	ssyncset.done $0x0  }
0x30: {  	s16 =	smov.u32 s7;
	s17 =	simm.s32 $0x0;
	[sflag:s8] =	ssyncadd.s32 $0xFFFFE000  }
.LBB2_7:
0x31: {  	s18 =	sand.u32 $0xFF, s15  }
0x32: {  	s18 =	smul.u32 $0xCD, s18;
	_ =	sdelay $0x1  }
0x33: {  	s18 =	sshrl.u32 s18, $0xA  }
0x34: {  	s18 =	smul.u32 $0x5, s18;
	_ =	sdelay $0x1  }
0x35: {  	s18 =	ssub.s32 s15, s18  }
0x36: {  	s18 =	sand.u32 $0xFF, s18  }
0x37: {  	p0 =	sgt.s32 s18, $0x1  }
0x38: {  	p1 =	seq.s32 @p0 s18, $0x2  }
0x39: {  	p2 =	por !p1, !p0  }
0x3a: {  	s19 =	sadd.s32 $0xFFFFE400, s16;
	s20 =	simm.s32 @!p2 $0x3  }
0x3b: {  	s19 =	sshrl.u32 s19, $0x3;
	_ =	swait.ge @!p2 [sflag:s20], $0x3200  }
0x3c: {  	s21 =	sshrl.u32 s16, $0x3;
	s19 =	sadd.s32 s4, s19;
	[sflag:s20] =	ssyncset.done @!p2 $0x0  }
0x3d: {  	s22 =	simm.s32 @!p2 $0x8800;
	[sflag:s20] =	ssyncadd.s32 @!p2 $0xFFFFCE00;
	s20 =	simm.s32 @!p2 $0x0  }
0x3e: {  	[hbm4b:s19+s20] =	stream.linear.scatter @!p2 [tilespmem:s22], [sflag:$0x8], $0x1900, $0x38;
	[tilespmem:$0x12400] =	vst v63  }
0x3f: {  	s21 =	sadd.s32 s4, s21;
	s22 =	simm.s32 @!p2 $0xA100  }
0x40: {  	[hbm4b:s21+s20] =	stream.linear.scatter @!p2 [tilespmem:s22], [sflag:$0x8], $0x1900, $0x38;
	[tilespmem:$0x12400] =	vst v63  }
0x41: {  	p2 =	por p1, !p0  }
0x42: {  	p2 =	seq.s32 @!p2 s18, $0x3  }
0x43: {  	p3 =	por @p0 !p2, p1  }
0x44: {  	p3 =	por p3, !p0  }
0x45: {  	s20 =	simm.s32 @!p3 $0x4  }
0x46: {  	_ =	swait.ge @!p3 [sflag:s20], $0x3200  }
0x47: {  	p1 =	por @p0 p2, p1;
	[sflag:s20] =	ssyncset.done @!p3 $0x0  }
0x48: {  	s22 =	simm.s32 @!p3 $0xBC00;
	[sflag:s20] =	ssyncadd.s32 @!p3 $0xFFFFCE00;
	s20 =	simm.s32 @!p3 $0x0  }
0x49: {  	[hbm4b:s19+s20] =	stream.linear.scatter @!p3 [tilespmem:s22], [sflag:$0x9], $0x1900, $0x38;
	[tilespmem:$0x12400] =	vst v63  }
0x4a: {  	p1 =	por p1, !p0;
	s22 =	simm.s32 @!p3 $0xD500  }
0x4b: {  	[hbm4b:s21+s20] =	stream.linear.scatter @!p3 [tilespmem:s22], [sflag:$0x9], $0x1900, $0x38;
	[tilespmem:$0x12400] =	vst v63  }
0x4c: {  	s20 =	simm.s32 @!p1 $0x5  }
0x4d: {  	_ =	swait.ge @!p1 [sflag:s20], $0x3200  }
0x4e: {  	[sflag:s20] =	ssyncset.done @!p1 $0x0  }
0x4f: {  	s22 =	simm.s32 @!p1 $0xF000;
	[sflag:s20] =	ssyncadd.s32 @!p1 $0xFFFFCE00;
	s20 =	simm.s32 @!p1 $0x0  }
0x50: {  	[hbm4b:s19+s20] =	stream.linear.scatter @!p1 [tilespmem:s22], [sflag:$0xA], $0x1900, $0x38;
	[tilespmem:$0x12400] =	vst v63  }
0x51: {  	s22 =	simm.s32 @!p1 $0x10900  }
0x52: {  	[hbm4b:s21+s20] =	stream.linear.scatter @!p1 [tilespmem:s22], [sflag:$0xA], $0x1900, $0x38;
	[tilespmem:$0x12400] =	vst v63  }
0x53: {  	p1 =	seq.s32 @!p0 s18, $0x0  }
0x54: {  	p2 =	por !p1, p0  }
0x55: {  	s18 =	simm.s32 @!p2 $0x1  }
0x56: {  	_ =	swait.ge @!p2 [sflag:s18], $0x3200  }
0x57: {  	[sflag:s18] =	ssyncset.done @!p2 $0x0  }
0x58: {  	s20 =	simm.s32 @!p2 $0x2000;
	[sflag:s18] =	ssyncadd.s32 @!p2 $0xFFFFCE00;
	s18 =	simm.s32 @!p2 $0x0  }
0x59: {  	[hbm4b:s19+s18] =	stream.linear.scatter @!p2 [tilespmem:s20], [sflag:$0x6], $0x1900, $0x38;
	[tilespmem:$0x12400] =	vst v63  }
0x5a: {  	p0 =	por p1, p0;
	s20 =	simm.s32 @!p2 $0x3900  }
0x5b: {  	[hbm4b:s21+s18] =	stream.linear.scatter @!p2 [tilespmem:s20], [sflag:$0x6], $0x1900, $0x38;
	[tilespmem:$0x12400] =	vst v63  }
0x5c: {  	s18 =	simm.s32 @!p0 $0x2  }
0x5d: {  	_ =	swait.ge @!p0 [sflag:s18], $0x3200  }
0x5e: {  	[sflag:s18] =	ssyncset.done @!p0 $0x0  }
0x5f: {  	s20 =	simm.s32 @!p0 $0x5400;
	[sflag:s18] =	ssyncadd.s32 @!p0 $0xFFFFCE00;
	s18 =	simm.s32 @!p0 $0x0  }
0x60: {  	[hbm4b:s19+s18] =	stream.linear.scatter @!p0 [tilespmem:s20], [sflag:$0x7], $0x1900, $0x38;
	[tilespmem:$0x12400] =	vst v63  }
0x61: {  	s19 =	simm.s32 @!p0 $0x6D00  }
0x62: {  	[hbm4b:s21+s18] =	stream.linear.scatter @!p0 [tilespmem:s19], [sflag:$0x7], $0x1900, $0x38;
	[tilespmem:$0x12400] =	vst v63  }
.LBB2_8:
0x63: {  	s15 =	sadd.s32 $0x1, s15  }
0x64: {  	p0 =	sne.s32 s15, $0x40  }
.Ltmp3:
0x65: {  	_ = 	snop;
	(pc) =	sbr.rel @!p0 .LBB2_9-.Ltmp3, $2  }
0x66: {  	_ =	sdelay $0x2  }
0x67: {  	s17 =	sadd.s32 $0x80, s17;
	s16 =	sadd.s32 $0x3800, s16  }
.LBB2_2:
0x68: {  	s18 =	sadd.s32 $0x3, s15  }
0x69: {  	p0 =	sgt.u32 s18, $0x3F  }
.Ltmp4:
0x6a: {  	_ = 	snop;
	(pc) =	sbr.rel @p0 .LBB2_7-.Ltmp4, $1  }
0x6b: {  	_ =	sdelay $0x3  }
0x6c: {  	s19 =	smul.u32 $0xCD, s18;
	_ =	sdelay $0x1  }
0x6d: {  	s19 =	sshrl.u32 s19, $0xA  }
0x6e: {  	s19 =	sand.u32 $0x3F, s19  }
0x6f: {  	s19 =	smul.u32 $0x5, s19;
	_ =	sdelay $0x1  }
0x70: {  	s19 =	ssub.s32 s18, s19  }
0x71: {  	s19 =	sand.u32 $0xFF, s19  }
0x72: {  	p0 =	sgt.s32 s19, $0x1  }
.Ltmp5:
0x73: {  	_ = 	snop;
	(pc) =	sbr.rel @!p0 .LBB2_4-.Ltmp5, $1  }
0x74: {  	_ =	sdelay $0x3  }
0x75: {  	p0 =	seq.s32 s19, $0x2  }
0x76: {  	p1 =	slt.u32 @p0 s18, $0x5  }
0x77: {  	p1 =	por p1, !p0  }
0x78: {  	s20 =	simm.s32 @!p1 $0x8  }
0x79: {  	_ =	swait.ge @!p1 [sflag:s20], $0x1900  }
0x7a: {  	[sflag:s20] =	ssyncset.done @!p1 $0x0  }
0x7b: {  	[sflag:s20] =	ssyncadd.s32 @!p1 $0xFFFFE700  }
0x7c: {  	_ =	swait.ge @!p1 [sflag:s20], $0x1900  }
0x7d: {  	s21 =	simm.s32 @p0 $0x8800;
	[sflag:s20] =	ssyncset.done @!p1 $0x0  }
0x7e: {  	[sflag:s20] =	ssyncadd.s32 @!p1 $0xFFFFE700;
	s20 =	simm.s32 @p0 $0x64;
	p1 =	seq.s32 @!p0 s19, $0x3  }
0x7f: {  	[tilespmem:s21], [sflag:$0x3] =	stream.indirect.gather @p0 [hbm4b:s1+s20], $0x80, s17, s20, $0xb8;
	[tilespmem:$0x12400] =	vst v63  }
0x80: {  	p2 =	por !p1, p0  }
0x81: {  	p3 =	slt.u32 @!p2 s18, $0x5  }
0x82: {  	p3 =	por @!p0 p3, !p1  }
0x83: {  	p3 =	por p3, p0  }
0x84: {  	s19 =	simm.s32 @!p3 $0x9  }
0x85: {  	_ =	swait.ge @!p3 [sflag:s19], $0x1900  }
0x86: {  	[sflag:s19] =	ssyncset.done @!p3 $0x0  }
0x87: {  	[sflag:s19] =	ssyncadd.s32 @!p3 $0xFFFFE700  }
0x88: {  	_ =	swait.ge @!p3 [sflag:s19], $0x1900  }
0x89: {  	[sflag:s19] =	ssyncset.done @!p3 $0x0  }
0x8a: {  	s20 =	simm.s32 @!p2 $0xBC00;
	[sflag:s19] =	ssyncadd.s32 @!p3 $0xFFFFE700;
	s19 =	simm.s32 @!p2 $0x64  }
0x8b: {  	[tilespmem:s20], [sflag:$0x4] =	stream.indirect.gather @!p2 [hbm4b:s1+s19], $0x80, s17, s19, $0xb8;
	[tilespmem:$0x12400] =	vst v63  }
0x8c: {  	p2 =	por p1, p0  }
0x8d: {  	p3 =	slt.u32 @!p2 s18, $0x5  }
0x8e: {  	p1 =	por @!p0 p3, p1  }
0x8f: {  	p0 =	por p1, p0  }
0x90: {  	s19 =	simm.s32 @!p0 $0xA  }
0x91: {  	_ =	swait.ge @!p0 [sflag:s19], $0x1900  }
0x92: {  	[sflag:s19] =	ssyncset.done @!p0 $0x0  }
.Ltmp6:
0x93: {  	[sflag:s19] =	ssyncadd.s32 @!p0 $0xFFFFE700;
	(pc) =	sbr.rel .LBB2_6-.Ltmp6, $4  }
0x94: {  	_ =	swait.ge @!p0 [sflag:s19], $0x1900  }
0x95: {  	[sflag:s19] =	ssyncset.done @!p0 $0x0  }
0x96: {  	s20 =	simm.s32 @!p2 $0xF000;
	[sflag:s19] =	ssyncadd.s32 @!p0 $0xFFFFE700;
	s19 =	simm.s32 @!p2 $0x64  }
0x97: {  	[tilespmem:s20], [sflag:$0x5] =	stream.indirect.gather @!p2 [hbm4b:s1+s19], $0x80, s17, s19, $0xb8;
	[tilespmem:$0x12400] =	vst v63  }
.LBB2_4:
0x98: {  	p0 =	seq.s32 s19, $0x0  }
0x99: {  	p1 =	slt.u32 @p0 s18, $0x5  }
0x9a: {  	p1 =	por p1, !p0  }
0x9b: {  	s19 =	simm.s32 @!p1 $0x6  }
0x9c: {  	_ =	swait.ge @!p1 [sflag:s19], $0x1900  }
0x9d: {  	[sflag:s19] =	ssyncset.done @!p1 $0x0  }
0x9e: {  	[sflag:s19] =	ssyncadd.s32 @!p1 $0xFFFFE700  }
0x9f: {  	_ =	swait.ge @!p1 [sflag:s19], $0x1900  }
0xa0: {  	s20 =	simm.s32 @p0 $0x2000;
	[sflag:s19] =	ssyncset.done @!p1 $0x0  }
0xa1: {  	[sflag:s19] =	ssyncadd.s32 @!p1 $0xFFFFE700;
	s19 =	simm.s32 @p0 $0x64;
	p1 =	slt.u32 @!p0 s18, $0x5  }
0xa2: {  	[tilespmem:s20], [sflag:$0x1] =	stream.indirect.gather @p0 [hbm4b:s1+s19], $0x80, s17, s19, $0xb8;
	[tilespmem:$0x12400] =	vst v63  }
0xa3: {  	p1 =	por p1, p0  }
0xa4: {  	s19 =	simm.s32 @!p1 $0x7  }
0xa5: {  	_ =	swait.ge @!p1 [sflag:s19], $0x1900  }
0xa6: {  	[sflag:s19] =	ssyncset.done @!p1 $0x0  }
0xa7: {  	[sflag:s19] =	ssyncadd.s32 @!p1 $0xFFFFE700  }
0xa8: {  	_ =	swait.ge @!p1 [sflag:s19], $0x1900  }
0xa9: {  	[sflag:s19] =	ssyncset.done @!p1 $0x0  }
0xaa: {  	s20 =	simm.s32 @!p0 $0x5400;
	[sflag:s19] =	ssyncadd.s32 @!p1 $0xFFFFE700;
	s19 =	simm.s32 @!p0 $0x64  }
0xab: {  	[tilespmem:s20], [sflag:$0x2] =	stream.indirect.gather @!p0 [hbm4b:s1+s19], $0x80, s17, s19, $0xb8;
	[tilespmem:$0x12400] =	vst v63  }
.LBB2_6:
0xac: {  	p0 =	slt.u32 s18, $0x3  }
.Ltmp7:
0xad: {  	_ = 	snop;
	(pc) =	sbr.rel @p0 .LBB2_8-.Ltmp7, $4  }
.Ltmp8:
0xae: {  	_ = 	snop;
	(pc) =	sbr.rel @!p0 .LBB2_7-.Ltmp8, $4  }
0xaf: {  	_ = 	snop  }
0xb0: {  	_ = 	snop  }
0xb1: {  	_ = 	snop  }
0xb2: {  	_ = 	snop  }
.LBB2_10:
0xb3: {  	_ =	sfence.sel $0x180000  }
0xb4: {  	[bflag:$0x0] =	sbarrier.arrive $0xFFFF  }
0xb5: {  	p0 =	sne.s32 s2, $0x0;
	_ =	strace $0x90000047  }
0xb6: {  	s0 =	sadd.s32 @!p0 $0x100000, s0;
	[bflag:$0x2] =	sbarrier.arrive $0xFFFF  }
0xb7: {  	[sflag:s0] =	ssyncadd.tile.s32 @!p0 $0x1;
	_ =	shalt  }
.Lfunc_end2:
_tile_overlayer_lowered:
.L_overlay_start_2:
0xb8: {  	(tag) =	ssettag $0x2  }
0xb9: {  	s0 =	rddreg [dreg:$0x0];
	s2 =	stileid.u32  }
0xba: {  	s1 =	rddreg [dreg:$0x1];
	p0 =	sne.s32 s2, $0x0  }
0xbb: {  	s3 =	rddreg [dreg:$0x2];
	[bflag:$0x3] =	sbarrier.arrive $0xFFFF;
	s2 =	simm.s32 @!p0 $0x1C0B  }
0xbc: {  	[timem:s3], [sflag:s2] =	dma.local @!p0 [hbm:s0], s1  }
0xbd: {  	s0 =	simm.s32 @!p0 $0xB  }
0xbe: {  	_ =	swait.ge @!p0 [sflag:s0], s1  }
0xbf: {  	s1 =	ssub.s32 @!p0 $0x0, s1;
	[sflag:s0] =	ssyncset.done @!p0 $0x0  }
0xc0: {  	[sflag:s0] =	ssyncadd.s32 @!p0 s1  }
0xc1: {  	[bflag:$0x3] =	sbarrier.arrive $0xFFFF  }
0xc2: {  	_ =	shalt  }

</sc_bundles>
